<compile_context>
chip_gen: v7x
topology: tpu7x:2x2x1
jax: 0.10.2.dev20260603
libtpu: 0.0.44.dev20260713+nightly
codegen_flags: <defaults>
</compile_context>

<pallas_src>
import numpy as np
import jax
import jax.numpy as jnp
from jax import lax
from jax.experimental import pallas as pl
from jax.experimental.pallas import tpu as pltpu
from jax.experimental.pallas import tpu_sc as plsc

N_NODES = 10000
N_EDGES = 160000
NODE_DIM = 256
EDGE_DIM = 16
HIDDEN = 256

GRID = 10
N_PAD = 10240
NODE_BLK = 1024
EDGE_BLK = 16384
N_WORKERS = 32
E_PAD = 163840
CHUNK = E_PAD // N_WORKERS
LAST_VALID = N_EDGES - (N_WORKERS - 1) * CHUNK


def _gumbel_const() -> np.ndarray:
    def rotl(x, r):
        return ((x << np.uint32(r)) | (x >> np.uint32(32 - r))).astype(np.uint32)

    ks0, ks1 = np.uint32(0), np.uint32(123)
    ks2 = np.uint32(ks0 ^ ks1 ^ np.uint32(0x1BD11BDA))
    ks = [ks0, ks1, ks2]
    rot = [(13, 15, 26, 6), (17, 29, 16, 24)]
    x0 = np.full(N_EDGES, ks0, np.uint32)
    x1 = (np.arange(N_EDGES, dtype=np.uint32) + ks1).astype(np.uint32)
    for i in range(5):
        for r in rot[i % 2]:
            x0 = (x0 + x1).astype(np.uint32)
            x1 = rotl(x1, r)
            x1 = (x1 ^ x0).astype(np.uint32)
        x0 = (x0 + ks[(i + 1) % 3]).astype(np.uint32)
        x1 = (x1 + ks[(i + 2) % 3] + np.uint32(i + 1)).astype(np.uint32)
    bits = (x0 ^ x1).astype(np.uint32)
    u = ((bits >> np.uint32(9)) | np.uint32(0x3F800000)).view(np.float32) \
        - np.float32(1.0)
    bias = np.float32(0.0001)
    eps = (bias - (np.float32(1.0) - bias)) * u + (np.float32(1.0) - bias)
    g = np.log(eps, dtype=np.float32) - np.log(np.float32(1.0) - eps,
               dtype=np.float32)
    out = np.full(E_PAD, -1e9, np.float32)
    out[:N_EDGES] = g
    return out


_GUMBEL = _gumbel_const()
_BF = jnp.bfloat16


def _score_head(x_bf, w1_ref, b1_ref, w2_ref, n):
    acc = jnp.dot(x_bf, w1_ref[...].astype(_BF),
                  preferred_element_type=jnp.float32)
    h = jnp.maximum(acc.astype(_BF) + b1_ref[...].astype(_BF),
                    jnp.zeros((), _BF))
    return lax.dot_general(
        w2_ref[...].astype(_BF), h, (((1,), (1,)), ((), ())),
        preferred_element_type=jnp.float32).reshape(n)


def _tc_body(x_ref, relt_ref, ei_ref, gum_ref,
             w1s_ref, b1s_ref, w2s_ref,
             w1d_ref, b1d_ref, w2d_ref,
             w1e_ref, b1e_ref, w2e_ref, b2_ref,
             wsrc_ref, wdst_ref, wep_ref, srcp_ref, dstp_ref):
    i = pl.program_id(0)
    x_bf = x_ref[...].astype(_BF)
    wsrc_ref[...] = _score_head(x_bf, w1s_ref, b1s_ref, w2s_ref, NODE_BLK)
    wdst_ref[...] = _score_head(x_bf, w1d_ref, b1d_ref, w2d_ref, NODE_BLK)

    acc_e = lax.dot_general(
        relt_ref[...].astype(_BF), w1e_ref[...].astype(_BF),
        (((0,), (0,)), ((), ())), preferred_element_type=jnp.float32)
    h_e = jnp.maximum(acc_e.astype(_BF) + b1e_ref[...].astype(_BF),
                      jnp.zeros((), _BF))
    se = lax.dot_general(
        w2e_ref[...].astype(_BF), h_e, (((1,), (1,)), ((), ())),
        preferred_element_type=jnp.float32).reshape(EDGE_BLK)
    valid = i * EDGE_BLK + lax.iota(jnp.int32, EDGE_BLK) < N_EDGES
    wep_ref[...] = jnp.where(valid, se + b2_ref[0, 0] + gum_ref[...], -1e9)
    zeros = jnp.zeros((EDGE_BLK,), jnp.int32)
    srcp_ref[...] = jnp.where(valid, ei_ref[0, :], zeros)
    dstp_ref[...] = jnp.where(valid, ei_ref[1, :], zeros)


def _sc_gate_body(wsrc_hbm, wdst_hbm, src_hbm, dst_hbm, wep_hbm,
                  gate_hbm, part_hbm,
                  tbl_s, tbl_d, idx_s, idx_d, wep_v, gate_v, acc_v):
    wid = lax.axis_index("s") * 2 + lax.axis_index("c")
    base = pl.multiple_of(wid * CHUNK, 128)
    pltpu.sync_copy(wsrc_hbm, tbl_s)
    pltpu.sync_copy(wdst_hbm, tbl_d)
    pltpu.sync_copy(src_hbm.at[pl.ds(base, CHUNK)], idx_s)
    pltpu.sync_copy(dst_hbm.at[pl.ds(base, CHUNK)], idx_d)
    pltpu.sync_copy(wep_hbm.at[pl.ds(base, CHUNK)], wep_v)

    @plsc.parallel_loop(0, CHUNK, step=16, unroll=8,
                        carry=jnp.zeros((16,), jnp.float32))
    def acc(o, acc_in):
        vs = plsc.load_gather(tbl_s, [idx_s[pl.ds(o, 16)]])
        vd = plsc.load_gather(tbl_d, [idx_d[pl.ds(o, 16)]])
        w = wep_v[pl.ds(o, 16)] + vs + vd
        g = 1.0 / (1.0 + jnp.exp(-2.0 * w))
        gate_v[pl.ds(o, 16)] = g
        return acc_in + g

    acc_v[...] = acc

    @pl.when(wid < N_WORKERS - 1)
    def _copy_full():
        pltpu.sync_copy(gate_v, gate_hbm.at[pl.ds(base, CHUNK)])

    @pl.when(wid == N_WORKERS - 1)
    def _copy_last():
        pltpu.sync_copy(gate_v.at[pl.ds(0, LAST_VALID)],
                        gate_hbm.at[pl.ds(base, LAST_VALID)])

    pltpu.sync_copy(acc_v, part_hbm.at[wid])


def kernel(node_emb, edge_index, relation_emb,
           W1_src, b1_src, W2_src, b2_src,
           W1_dst, b1_dst, W2_dst, b2_dst,
           W1_edge, b1_edge, W2_edge, b2_edge):
    f32 = jnp.float32
    ei = edge_index.astype(jnp.int32)
    b2sum = (b2_src + b2_dst + b2_edge).reshape(1, 1)
    gum = jnp.asarray(_GUMBEL)

    full = lambda i: (0, 0)
    wsrc, wdst, wep, src_p, dst_p = pl.pallas_call(
        _tc_body,
        grid=(GRID,),
        in_specs=[
            pl.BlockSpec((NODE_BLK, NODE_DIM), lambda i: (i, 0)),
            pl.BlockSpec((EDGE_DIM, EDGE_BLK), lambda i: (0, i)),
            pl.BlockSpec((2, EDGE_BLK), lambda i: (0, i)),
            pl.BlockSpec((EDGE_BLK,), lambda i: (i,)),
            pl.BlockSpec((NODE_DIM, HIDDEN), full),
            pl.BlockSpec((1, HIDDEN), full),
            pl.BlockSpec((1, HIDDEN), full),
            pl.BlockSpec((NODE_DIM, HIDDEN), full),
            pl.BlockSpec((1, HIDDEN), full),
            pl.BlockSpec((1, HIDDEN), full),
            pl.BlockSpec((EDGE_DIM, HIDDEN), full),
            pl.BlockSpec((1, HIDDEN), full),
            pl.BlockSpec((1, HIDDEN), full),
            pl.BlockSpec((1, 1), full),
        ],
        out_specs=[
            pl.BlockSpec((NODE_BLK,), lambda i: (i,)),
            pl.BlockSpec((NODE_BLK,), lambda i: (i,)),
            pl.BlockSpec((EDGE_BLK,), lambda i: (i,)),
            pl.BlockSpec((EDGE_BLK,), lambda i: (i,)),
            pl.BlockSpec((EDGE_BLK,), lambda i: (i,)),
        ],
        out_shape=[
            jax.ShapeDtypeStruct((N_PAD,), f32),
            jax.ShapeDtypeStruct((N_PAD,), f32),
            jax.ShapeDtypeStruct((E_PAD,), f32),
            jax.ShapeDtypeStruct((E_PAD,), jnp.int32),
            jax.ShapeDtypeStruct((E_PAD,), jnp.int32),
        ],
    )(node_emb, relation_emb.T, ei, gum,
      W1_src, b1_src.reshape(1, HIDDEN), W2_src.reshape(1, HIDDEN),
      W1_dst, b1_dst.reshape(1, HIDDEN), W2_dst.reshape(1, HIDDEN),
      W1_edge, b1_edge.reshape(1, HIDDEN), W2_edge.reshape(1, HIDDEN),
      b2sum)

    mesh = plsc.VectorSubcoreMesh(core_axis_name="c", subcore_axis_name="s")
    sc_gate = pl.kernel(
        _sc_gate_body,
        out_type=[
            jax.ShapeDtypeStruct((N_EDGES,), f32),
            jax.ShapeDtypeStruct((N_WORKERS, 16), f32),
        ],
        mesh=mesh,
        compiler_params=pltpu.CompilerParams(needs_layout_passes=False),
        scratch_types=[
            pltpu.VMEM((N_PAD,), f32),
            pltpu.VMEM((N_PAD,), f32),
            pltpu.VMEM((CHUNK,), jnp.int32),
            pltpu.VMEM((CHUNK,), jnp.int32),
            pltpu.VMEM((CHUNK,), f32),
            pltpu.VMEM((CHUNK,), f32),
            pltpu.VMEM((16,), f32),
        ],
    )
    gate, parts = sc_gate(wsrc, wdst, src_p, dst_p, wep)

    aug_edge_weight = gate.reshape(N_EDGES, 1, 1)
    reg = 1.0 - jnp.sum(parts) / np.float32(N_EDGES)
    return (reg, aug_edge_weight)

# --- scband reference (transcript-rebuilt; emitter-appended) ---
"""Pipeline reference for scband-drop-learner2-28200755266073 (READ-ONLY COPY).

The authoritative reference and input builder live on the scoring server;
editing this copy changes nothing except your own understanding.
"""

import jax, jax.numpy as jnp
import numpy as np

N_NODES = 10000
N_EDGES = 160000
NODE_DIM = 256
EDGE_DIM = 16
HIDDEN = 256


def _xavier(key, shape):
    fan_in, fan_out = shape[0], shape[1]
    a = jnp.sqrt(6.0 / (fan_in + fan_out))
    return jax.random.uniform(key, shape, jnp.float32, -a, a)


def setup_inputs(seed: int = 0) -> dict:
    key = jax.random.key(seed)
    ks = jax.random.split(key, 12)
    node_emb = jax.random.normal(ks[0], (N_NODES, NODE_DIM), jnp.float32)
    edge_index = jax.random.randint(ks[1], (2, N_EDGES), 0, N_NODES).astype(jnp.int64)
    relation_emb = jax.random.normal(ks[2], (N_EDGES, EDGE_DIM), jnp.float32)
    params = {
        'W1_src': _xavier(ks[3], (NODE_DIM, HIDDEN)), 'b1_src': jnp.zeros((HIDDEN,), jnp.float32),
        'W2_src': _xavier(ks[4], (HIDDEN, 1)), 'b2_src': jnp.zeros((1,), jnp.float32),
        'W1_dst': _xavier(ks[5], (NODE_DIM, HIDDEN)), 'b1_dst': jnp.zeros((HIDDEN,), jnp.float32),
        'W2_dst': _xavier(ks[6], (HIDDEN, 1)), 'b2_dst': jnp.zeros((1,), jnp.float32),
        'W1_edge': _xavier(ks[7], (EDGE_DIM, HIDDEN)), 'b1_edge': jnp.zeros((HIDDEN,), jnp.float32),
        'W2_edge': _xavier(ks[8], (HIDDEN, 1)), 'b2_edge': jnp.zeros((1,), jnp.float32),
    }
    inp = {'node_emb': node_emb, 'edge_index': edge_index, 'relation_emb': relation_emb}
    inp.update(params)
    return inp


def _mlp(x, W1, b1, W2, b2):
    h = jax.nn.relu(x @ W1 + b1)
    return h @ W2 + b2


def reference(node_emb, edge_index, relation_emb,
              W1_src, b1_src, W2_src, b2_src,
              W1_dst, b1_dst, W2_dst, b2_dst,
              W1_edge, b1_edge, W2_edge, b2_edge):
    temperature = 0.5
    src = edge_index[0]
    dst = edge_index[1]
    # per-node scalar scores (Filter/IFilter treated as identity passthrough)
    w_src = _mlp(node_emb, W1_src, b1_src, W2_src, b2_src)  # [N, 1]
    w_dst = _mlp(node_emb, W1_dst, b1_dst, W2_dst, b2_dst)  # [N, 1]
    # u_add_v edge combination (gather per edge)
    weight = jnp.take(w_src, src, axis=0) + jnp.take(w_dst, dst, axis=0)  # [E, 1]
    # edge feature contribution
    w_edge = _mlp(relation_emb, W1_edge, b1_edge, W2_edge, b2_edge)  # [E, 1]
    weight = weight + w_edge
    weight = jnp.squeeze(weight, axis=-1)  # [E]
    # concrete / gumbel-sigmoid gate with fixed key for determinism
    bias = 0.0 + 0.0001
    u = jax.random.uniform(jax.random.key(123), weight.shape, jnp.float32)
    eps = (bias - (1.0 - bias)) * u + (1.0 - bias)
    gate_inputs = jnp.log(eps) - jnp.log(1.0 - eps)
    gate_inputs = (gate_inputs + weight) / temperature
    aug_edge_weight = jax.nn.sigmoid(gate_inputs)
    edge_drop_out_prob = 1.0 - aug_edge_weight
    reg = edge_drop_out_prob.mean()
    aug_edge_weight = aug_edge_weight[:, None, None]  # [E, 1, 1]
    return (reg, aug_edge_weight)

if __name__ == "__main__":
    import jax
    _d = setup_inputs()
    print(jax.jit(kernel)(*tuple(_d.values())))

</pallas_src>

<mosaic_0001>
#map = affine_map<(d0, d1) -> (0)>
#map1 = affine_map<(d0, d1) -> (0, 0)>
module attributes {stable_mosaic.version = 14 : i64} {
  func.func @_sc_gate_body(%arg0: i32, %arg1: i32, %arg2: memref<10240xf32, #tpu.memory_space<hbm>>, %arg3: memref<10240xf32, #tpu.memory_space<hbm>>, %arg4: memref<163840xi32, #tpu.memory_space<hbm>>, %arg5: memref<163840xi32, #tpu.memory_space<hbm>>, %arg6: memref<163840xf32, #tpu.memory_space<hbm>>, %arg7: memref<160000xf32, #tpu.memory_space<hbm>>, %arg8: memref<32x16xf32, #tpu.memory_space<hbm>>, %arg9: memref<10240xf32, #tpu.memory_space<vmem>>, %arg10: memref<10240xf32, #tpu.memory_space<vmem>>, %arg11: memref<5120xi32, #tpu.memory_space<vmem>>, %arg12: memref<5120xi32, #tpu.memory_space<vmem>>, %arg13: memref<5120xf32, #tpu.memory_space<vmem>>, %arg14: memref<5120xf32, #tpu.memory_space<vmem>>, %arg15: memref<16xf32, #tpu.memory_space<vmem>>) attributes {dimension_semantics = [#tpu.dimension_semantics<core_parallel>, #tpu.dimension_semantics<subcore_parallel>], iteration_bounds = array<i64: 2, 16>, scalar_prefetch = 0 : i64, scratch_operands = 7 : i64, tpu.core_type = #tpu.core_type<sc_vector_subcore>, window_params = [{transform_indices = #map}, {transform_indices = #map}, {transform_indices = #map}, {transform_indices = #map}, {transform_indices = #map}, {transform_indices = #map}, {transform_indices = #map1}]} {
    %mul3A = arith.constant 2 : i32
    %mul3A_0 = arith.muli %arg1, %mul3A : i32
    %add3A = arith.addi %mul3A_0, %arg0 : i32
    %mul3A_1 = arith.constant 5120 : i32
    %mul3A_2 = arith.muli %add3A, %mul3A_1 : i32
    %multiple_of3A = tpu.assume_multiple %mul3A_2, 128 : i32
    "tpu.region"() ({
      %run_scoped3A = tpu.sem_alloc : memref<!tpu.dma_semaphore, #tpu.memory_space<semaphore_mem>>
      tpu.enqueue_dma source(%arg2 : memref<10240xf32, #tpu.memory_space<hbm>>) target(%arg9 : memref<10240xf32, #tpu.memory_space<vmem>>) target_semaphore(%run_scoped3A : memref<!tpu.dma_semaphore, #tpu.memory_space<semaphore_mem>>)
      tpu.wait_dma2 semaphore(%run_scoped3A : memref<!tpu.dma_semaphore, #tpu.memory_space<semaphore_mem>>) src(%arg2 : memref<10240xf32, #tpu.memory_space<hbm>>) dst(%arg9 : memref<10240xf32, #tpu.memory_space<vmem>>)
      tpu.yield
    }) : () -> ()
    "tpu.region"() ({
      %run_scoped3A = tpu.sem_alloc : memref<!tpu.dma_semaphore, #tpu.memory_space<semaphore_mem>>
      tpu.enqueue_dma source(%arg3 : memref<10240xf32, #tpu.memory_space<hbm>>) target(%arg10 : memref<10240xf32, #tpu.memory_space<vmem>>) target_semaphore(%run_scoped3A : memref<!tpu.dma_semaphore, #tpu.memory_space<semaphore_mem>>)
      tpu.wait_dma2 semaphore(%run_scoped3A : memref<!tpu.dma_semaphore, #tpu.memory_space<semaphore_mem>>) src(%arg3 : memref<10240xf32, #tpu.memory_space<hbm>>) dst(%arg10 : memref<10240xf32, #tpu.memory_space<vmem>>)
      tpu.yield
    }) : () -> ()
    "tpu.region"() ({
      %run_scoped3A = tpu.sem_alloc : memref<!tpu.dma_semaphore, #tpu.memory_space<semaphore_mem>>
      %dma_start3A = tpu.memref_slice %arg4[%multiple_of3A] : memref<163840xi32, #tpu.memory_space<hbm>> -> memref<5120xi32, #tpu.memory_space<hbm>>
      %dma_start3A_14 = tpu.memref_slice %arg4[%multiple_of3A] : memref<163840xi32, #tpu.memory_space<hbm>> -> memref<5120xi32, #tpu.memory_space<hbm>>
      tpu.enqueue_dma source(%dma_start3A_14 : memref<5120xi32, #tpu.memory_space<hbm>>) target(%arg11 : memref<5120xi32, #tpu.memory_space<vmem>>) target_semaphore(%run_scoped3A : memref<!tpu.dma_semaphore, #tpu.memory_space<semaphore_mem>>)
      %dma_wait3A = tpu.memref_slice %arg4[%multiple_of3A] : memref<163840xi32, #tpu.memory_space<hbm>> -> memref<5120xi32, #tpu.memory_space<hbm>>
      %dma_wait3A_15 = tpu.memref_slice %arg4[%multiple_of3A] : memref<163840xi32, #tpu.memory_space<hbm>> -> memref<5120xi32, #tpu.memory_space<hbm>>
      tpu.wait_dma2 semaphore(%run_scoped3A : memref<!tpu.dma_semaphore, #tpu.memory_space<semaphore_mem>>) src(%dma_wait3A_15 : memref<5120xi32, #tpu.memory_space<hbm>>) dst(%arg11 : memref<5120xi32, #tpu.memory_space<vmem>>)
      tpu.yield
    }) : () -> ()
    "tpu.region"() ({
      %run_scoped3A = tpu.sem_alloc : memref<!tpu.dma_semaphore, #tpu.memory_space<semaphore_mem>>
      %dma_start3A = tpu.memref_slice %arg5[%multiple_of3A] : memref<163840xi32, #tpu.memory_space<hbm>> -> memref<5120xi32, #tpu.memory_space<hbm>>
      %dma_start3A_14 = tpu.memref_slice %arg5[%multiple_of3A] : memref<163840xi32, #tpu.memory_space<hbm>> -> memref<5120xi32, #tpu.memory_space<hbm>>
      tpu.enqueue_dma source(%dma_start3A_14 : memref<5120xi32, #tpu.memory_space<hbm>>) target(%arg12 : memref<5120xi32, #tpu.memory_space<vmem>>) target_semaphore(%run_scoped3A : memref<!tpu.dma_semaphore, #tpu.memory_space<semaphore_mem>>)
      %dma_wait3A = tpu.memref_slice %arg5[%multiple_of3A] : memref<163840xi32, #tpu.memory_space<hbm>> -> memref<5120xi32, #tpu.memory_space<hbm>>
      %dma_wait3A_15 = tpu.memref_slice %arg5[%multiple_of3A] : memref<163840xi32, #tpu.memory_space<hbm>> -> memref<5120xi32, #tpu.memory_space<hbm>>
      tpu.wait_dma2 semaphore(%run_scoped3A : memref<!tpu.dma_semaphore, #tpu.memory_space<semaphore_mem>>) src(%dma_wait3A_15 : memref<5120xi32, #tpu.memory_space<hbm>>) dst(%arg12 : memref<5120xi32, #tpu.memory_space<vmem>>)
      tpu.yield
    }) : () -> ()
    "tpu.region"() ({
      %run_scoped3A = tpu.sem_alloc : memref<!tpu.dma_semaphore, #tpu.memory_space<semaphore_mem>>
      %dma_start3A = tpu.memref_slice %arg6[%multiple_of3A] : memref<163840xf32, #tpu.memory_space<hbm>> -> memref<5120xf32, #tpu.memory_space<hbm>>
      %dma_start3A_14 = tpu.memref_slice %arg6[%multiple_of3A] : memref<163840xf32, #tpu.memory_space<hbm>> -> memref<5120xf32, #tpu.memory_space<hbm>>
      tpu.enqueue_dma source(%dma_start3A_14 : memref<5120xf32, #tpu.memory_space<hbm>>) target(%arg13 : memref<5120xf32, #tpu.memory_space<vmem>>) target_semaphore(%run_scoped3A : memref<!tpu.dma_semaphore, #tpu.memory_space<semaphore_mem>>)
      %dma_wait3A = tpu.memref_slice %arg6[%multiple_of3A] : memref<163840xf32, #tpu.memory_space<hbm>> -> memref<5120xf32, #tpu.memory_space<hbm>>
      %dma_wait3A_15 = tpu.memref_slice %arg6[%multiple_of3A] : memref<163840xf32, #tpu.memory_space<hbm>> -> memref<5120xf32, #tpu.memory_space<hbm>>
      tpu.wait_dma2 semaphore(%run_scoped3A : memref<!tpu.dma_semaphore, #tpu.memory_space<semaphore_mem>>) src(%dma_wait3A_15 : memref<5120xf32, #tpu.memory_space<hbm>>) dst(%arg13 : memref<5120xf32, #tpu.memory_space<vmem>>)
      tpu.yield
    }) : () -> ()
    %broadcast_in_dim3A = arith.constant 0.000000e+00 : f32
    %broadcast_in_dim3A_3 = vector.broadcast %broadcast_in_dim3A : f32 to vector<16xf32>
    %parallel_loop3A = arith.constant 0 : i32
    %parallel_loop3A_4 = arith.constant 5120 : i32
    %parallel_loop3A_5 = arith.constant 16 : i32
    %parallel_loop3A_6 = scf.for %parallel_loop3A_14 = %parallel_loop3A to %parallel_loop3A_4 step %parallel_loop3A_5 iter_args(%parallel_loop3A_15 = %broadcast_in_dim3A_3) -> (vector<16xf32>)  : i32 {
      %parallel_loop3A_16 = arith.index_cast %parallel_loop3A_14 : i32 to index
      %parallel_loop3A_17 = tpu.vector_load %arg11[%parallel_loop3A_16] {strides = array<i32>} : memref<5120xi32, #tpu.memory_space<vmem>>, vector<16xi32>,
      %parallel_loop3A_18 = tpu.vector_load_idx %arg9[%parallel_loop3A_17] : memref<10240xf32, #tpu.memory_space<vmem>>[vector<16xi32>], vector<16xf32>,
      %parallel_loop3A_19 = arith.index_cast %parallel_loop3A_14 : i32 to index
      %parallel_loop3A_20 = tpu.vector_load %arg12[%parallel_loop3A_19] {strides = array<i32>} : memref<5120xi32, #tpu.memory_space<vmem>>, vector<16xi32>,
      %parallel_loop3A_21 = tpu.vector_load_idx %arg10[%parallel_loop3A_20] : memref<10240xf32, #tpu.memory_space<vmem>>[vector<16xi32>], vector<16xf32>,
      %parallel_loop3A_22 = arith.index_cast %parallel_loop3A_14 : i32 to index
      %parallel_loop3A_23 = tpu.vector_load %arg13[%parallel_loop3A_22] {strides = array<i32>} : memref<5120xf32, #tpu.memory_space<vmem>>, vector<16xf32>,
      %parallel_loop3A_24 = arith.addf %parallel_loop3A_23, %parallel_loop3A_18 : vector<16xf32>
      %parallel_loop3A_25 = arith.addf %parallel_loop3A_24, %parallel_loop3A_21 : vector<16xf32>
      %parallel_loop3A_26 = arith.constant -2.000000e+00 : f32
      %parallel_loop3A_27 = vector.broadcast %parallel_loop3A_26 : f32 to vector<16xf32>
      %parallel_loop3A_28 = arith.mulf %parallel_loop3A_27, %parallel_loop3A_25 : vector<16xf32>
      %parallel_loop3A_29 = math.exp %parallel_loop3A_28 : vector<16xf32>
      %parallel_loop3A_30 = arith.constant 1.000000e+00 : f32
      %parallel_loop3A_31 = vector.broadcast %parallel_loop3A_30 : f32 to vector<16xf32>
      %parallel_loop3A_32 = arith.addf %parallel_loop3A_31, %parallel_loop3A_29 : vector<16xf32>
      %parallel_loop3A_33 = arith.constant 1.000000e+00 : f32
      %parallel_loop3A_34 = vector.broadcast %parallel_loop3A_33 : f32 to vector<16xf32>
      %parallel_loop3A_35 = arith.divf %parallel_loop3A_34, %parallel_loop3A_32 : vector<16xf32>
      %parallel_loop3A_36 = arith.index_cast %parallel_loop3A_14 : i32 to index
      %parallel_loop3A_37 = tpu.vector_load %arg14[%parallel_loop3A_36] {strides = array<i32>} : memref<5120xf32, #tpu.memory_space<vmem>>, vector<16xf32>,
      tpu.vector_store %arg14[%parallel_loop3A_36], %parallel_loop3A_35 {strides = array<i32>} : memref<5120xf32, #tpu.memory_space<vmem>>, vector<16xf32>,
      %parallel_loop3A_38 = arith.addf %parallel_loop3A_15, %parallel_loop3A_35 : vector<16xf32>
      scf.yield %parallel_loop3A_38 : vector<16xf32>
    } {sc.loop_unroll_factor = 8 : i64, sc.parallel_access}
    %swap3A = arith.constant 0 : index
    %swap3A_7 = tpu.vector_load %arg15[%swap3A] {strides = array<i32>} : memref<16xf32, #tpu.memory_space<vmem>>, vector<16xf32>,
    tpu.vector_store %arg15[%swap3A], %parallel_loop3A_6 {strides = array<i32>} : memref<16xf32, #tpu.memory_space<vmem>>, vector<16xf32>,
    %lt3A = arith.constant 31 : i32
    %lt3A_8 = arith.cmpi slt, %add3A, %lt3A : i32
    %convert_element_type3A = arith.extui %lt3A_8 : i1 to i32
    %cond3A = arith.constant 0 : i32
    %cond3A_9 = arith.cmpi ne, %convert_element_type3A, %cond3A : i32
    scf.if %cond3A_9 {
      "tpu.region"() ({
        %run_scoped3A = tpu.sem_alloc : memref<!tpu.dma_semaphore, #tpu.memory_space<semaphore_mem>>
        %dma_start3A = tpu.memref_slice %arg7[%multiple_of3A] : memref<160000xf32, #tpu.memory_space<hbm>> -> memref<5120xf32, #tpu.memory_space<hbm>>
        %dma_start3A_14 = tpu.memref_slice %arg7[%multiple_of3A] : memref<160000xf32, #tpu.memory_space<hbm>> -> memref<5120xf32, #tpu.memory_space<hbm>>
        tpu.enqueue_dma source(%arg14 : memref<5120xf32, #tpu.memory_space<vmem>>) target(%dma_start3A_14 : memref<5120xf32, #tpu.memory_space<hbm>>) target_semaphore(%run_scoped3A : memref<!tpu.dma_semaphore, #tpu.memory_space<semaphore_mem>>)
        %dma_wait3A = tpu.memref_slice %arg7[%multiple_of3A] : memref<160000xf32, #tpu.memory_space<hbm>> -> memref<5120xf32, #tpu.memory_space<hbm>>
        %dma_wait3A_15 = tpu.memref_slice %arg7[%multiple_of3A] : memref<160000xf32, #tpu.memory_space<hbm>> -> memref<5120xf32, #tpu.memory_space<hbm>>
        tpu.wait_dma2 semaphore(%run_scoped3A : memref<!tpu.dma_semaphore, #tpu.memory_space<semaphore_mem>>) src(%arg14 : memref<5120xf32, #tpu.memory_space<vmem>>) dst(%dma_wait3A_15 : memref<5120xf32, #tpu.memory_space<hbm>>)
        tpu.yield
      }) : () -> ()
    } else {
    }
    %eq3A = arith.constant 31 : i32
    %eq3A_10 = arith.cmpi eq, %add3A, %eq3A : i32
    %convert_element_type3A_11 = arith.extui %eq3A_10 : i1 to i32
    %cond3A_12 = arith.constant 0 : i32
    %cond3A_13 = arith.cmpi ne, %convert_element_type3A_11, %cond3A_12 : i32
    scf.if %cond3A_13 {
      "tpu.region"() ({
        %run_scoped3A = tpu.sem_alloc : memref<!tpu.dma_semaphore, #tpu.memory_space<semaphore_mem>>
        %dma_start3A = arith.constant 0 : i32
        %dma_start3A_14 = tpu.memref_slice %arg14[%dma_start3A] : memref<5120xf32, #tpu.memory_space<vmem>> -> memref<1280xf32, #tpu.memory_space<vmem>>
        %dma_start3A_15 = tpu.memref_slice %arg7[%multiple_of3A] : memref<160000xf32, #tpu.memory_space<hbm>> -> memref<1280xf32, #tpu.memory_space<hbm>>
        %dma_start3A_16 = tpu.memref_slice %arg7[%multiple_of3A] : memref<160000xf32, #tpu.memory_space<hbm>> -> memref<1280xf32, #tpu.memory_space<hbm>>
        %dma_start3A_17 = arith.constant 0 : i32
        %dma_start3A_18 = tpu.memref_slice %arg14[%dma_start3A_17] : memref<5120xf32, #tpu.memory_space<vmem>> -> memref<1280xf32, #tpu.memory_space<vmem>>
        tpu.enqueue_dma source(%dma_start3A_18 : memref<1280xf32, #tpu.memory_space<vmem>>) target(%dma_start3A_16 : memref<1280xf32, #tpu.memory_space<hbm>>) target_semaphore(%run_scoped3A : memref<!tpu.dma_semaphore, #tpu.memory_space<semaphore_mem>>)
        %dma_wait3A = arith.constant 0 : i32
        %dma_wait3A_19 = tpu.memref_slice %arg14[%dma_wait3A] : memref<5120xf32, #tpu.memory_space<vmem>> -> memref<1280xf32, #tpu.memory_space<vmem>>
        %dma_wait3A_20 = tpu.memref_slice %arg7[%multiple_of3A] : memref<160000xf32, #tpu.memory_space<hbm>> -> memref<1280xf32, #tpu.memory_space<hbm>>
        %dma_wait3A_21 = tpu.memref_slice %arg7[%multiple_of3A] : memref<160000xf32, #tpu.memory_space<hbm>> -> memref<1280xf32, #tpu.memory_space<hbm>>
        %dma_wait3A_22 = arith.constant 0 : i32
        %dma_wait3A_23 = tpu.memref_slice %arg14[%dma_wait3A_22] : memref<5120xf32, #tpu.memory_space<vmem>> -> memref<1280xf32, #tpu.memory_space<vmem>>
        tpu.wait_dma2 semaphore(%run_scoped3A : memref<!tpu.dma_semaphore, #tpu.memory_space<semaphore_mem>>) src(%dma_wait3A_23 : memref<1280xf32, #tpu.memory_space<vmem>>) dst(%dma_wait3A_21 : memref<1280xf32, #tpu.memory_space<hbm>>)
        tpu.yield
      }) : () -> ()
    } else {
    }
    "tpu.region"() ({
      %run_scoped3A = tpu.sem_alloc : memref<!tpu.dma_semaphore, #tpu.memory_space<semaphore_mem>>
      %dma_start3A = arith.constant 0 : i32
      %dma_start3A_14 = tpu.memref_slice %arg8[%add3A, %dma_start3A] : memref<32x16xf32, #tpu.memory_space<hbm>> -> memref<1x16xf32, #tpu.memory_space<hbm>>
      %dma_start3A_15 = tpu.memref_squeeze %dma_start3A_14 : memref<1x16xf32, #tpu.memory_space<hbm>> -> memref<16xf32, #tpu.memory_space<hbm>>
      %dma_start3A_16 = arith.constant 0 : i32
      %dma_start3A_17 = tpu.memref_slice %arg8[%add3A, %dma_start3A_16] : memref<32x16xf32, #tpu.memory_space<hbm>> -> memref<1x16xf32, #tpu.memory_space<hbm>>
      %dma_start3A_18 = tpu.memref_squeeze %dma_start3A_17 : memref<1x16xf32, #tpu.memory_space<hbm>> -> memref<16xf32, #tpu.memory_space<hbm>>
      tpu.enqueue_dma source(%arg15 : memref<16xf32, #tpu.memory_space<vmem>>) target(%dma_start3A_18 : memref<16xf32, #tpu.memory_space<hbm>>) target_semaphore(%run_scoped3A : memref<!tpu.dma_semaphore, #tpu.memory_space<semaphore_mem>>)
      %dma_wait3A = arith.constant 0 : i32
      %dma_wait3A_19 = tpu.memref_slice %arg8[%add3A, %dma_wait3A] : memref<32x16xf32, #tpu.memory_space<hbm>> -> memref<1x16xf32, #tpu.memory_space<hbm>>
      %dma_wait3A_20 = tpu.memref_squeeze %dma_wait3A_19 : memref<1x16xf32, #tpu.memory_space<hbm>> -> memref<16xf32, #tpu.memory_space<hbm>>
      %dma_wait3A_21 = arith.constant 0 : i32
      %dma_wait3A_22 = tpu.memref_slice %arg8[%add3A, %dma_wait3A_21] : memref<32x16xf32, #tpu.memory_space<hbm>> -> memref<1x16xf32, #tpu.memory_space<hbm>>
      %dma_wait3A_23 = tpu.memref_squeeze %dma_wait3A_22 : memref<1x16xf32, #tpu.memory_space<hbm>> -> memref<16xf32, #tpu.memory_space<hbm>>
      tpu.wait_dma2 semaphore(%run_scoped3A : memref<!tpu.dma_semaphore, #tpu.memory_space<semaphore_mem>>) src(%arg15 : memref<16xf32, #tpu.memory_space<vmem>>) dst(%dma_wait3A_23 : memref<16xf32, #tpu.memory_space<hbm>>)
      tpu.yield
    }) : () -> ()
    return
  }
}

module attributes {stable_mosaic.version = 14 : i64} {
  func.func @_tc_body(%arg0: i32, %arg1: memref<1024x256xf32, #tpu.memory_space<vmem>>, %arg2: memref<16x16384xf32, #tpu.memory_space<vmem>>, %arg3: memref<2x16384xi32, #tpu.memory_space<vmem>>, %arg4: memref<16384xf32, #tpu.memory_space<vmem>>, %arg5: memref<256x256xf32, #tpu.memory_space<vmem>>, %arg6: memref<1x256xf32, #tpu.memory_space<vmem>>, %arg7: memref<1x256xf32, #tpu.memory_space<vmem>>, %arg8: memref<256x256xf32, #tpu.memory_space<vmem>>, %arg9: memref<1x256xf32, #tpu.memory_space<vmem>>, %arg10: memref<1x256xf32, #tpu.memory_space<vmem>>, %arg11: memref<16x256xf32, #tpu.memory_space<vmem>>, %arg12: memref<1x256xf32, #tpu.memory_space<vmem>>, %arg13: memref<1x256xf32, #tpu.memory_space<vmem>>, %arg14: memref<1x1xf32, #tpu.memory_space<vmem>>, %arg15: memref<1024xf32, #tpu.memory_space<vmem>>, %arg16: memref<1024xf32, #tpu.memory_space<vmem>>, %arg17: memref<16384xf32, #tpu.memory_space<vmem>>, %arg18: memref<16384xi32, #tpu.memory_space<vmem>>, %arg19: memref<16384xi32, #tpu.memory_space<vmem>>) attributes {dimension_semantics = [#tpu.dimension_semantics<arbitrary>], iteration_bounds = array<i64: 10>, scalar_prefetch = 0 : i64, scratch_operands = 0 : i64, tpu.core_type = #tpu.core_type<tc>, window_params = [{transform_indices = @transform_0, window_bounds = array<i64: 1024, 256>}, {transform_indices = @transform_1, window_bounds = array<i64: 16, 16384>}, {transform_indices = @transform_2, window_bounds = array<i64: 2, 16384>}, {transform_indices = @transform_3, window_bounds = array<i64: 16384>}, {pipeline_mode = #tpu.pipeline_mode<synchronous>, transform_indices = @transform_4, window_bounds = array<i64: 256, 256>}, {pipeline_mode = #tpu.pipeline_mode<synchronous>, transform_indices = @transform_5, window_bounds = array<i64: 1, 256>}, {pipeline_mode = #tpu.pipeline_mode<synchronous>, transform_indices = @transform_6, window_bounds = array<i64: 1, 256>}, {pipeline_mode = #tpu.pipeline_mode<synchronous>, transform_indices = @transform_7, window_bounds = array<i64: 256, 256>}, {pipeline_mode = #tpu.pipeline_mode<synchronous>, transform_indices = @transform_8, window_bounds = array<i64: 1, 256>}, {pipeline_mode = #tpu.pipeline_mode<synchronous>, transform_indices = @transform_9, window_bounds = array<i64: 1, 256>}, {pipeline_mode = #tpu.pipeline_mode<synchronous>, transform_indices = @transform_10, window_bounds = array<i64: 16, 256>}, {pipeline_mode = #tpu.pipeline_mode<synchronous>, transform_indices = @transform_11, window_bounds = array<i64: 1, 256>}, {pipeline_mode = #tpu.pipeline_mode<synchronous>, transform_indices = @transform_12, window_bounds = array<i64: 1, 256>}, {pipeline_mode = #tpu.pipeline_mode<synchronous>, transform_indices = @transform_13, window_bounds = array<i64: 1, 1>}, {transform_indices = @transform_14, window_bounds = array<i64: 1024>}, {transform_indices = @transform_15, window_bounds = array<i64: 1024>}, {transform_indices = @transform_16, window_bounds = array<i64: 16384>}, {transform_indices = @transform_17, window_bounds = array<i64: 16384>}, {transform_indices = @transform_18, window_bounds = array<i64: 16384>}]} {
    %get3A = arith.constant 0 : index
    %get3A_0 = arith.constant 0 : index
    %get3A_1 = vector.load %arg1[%get3A, %get3A_0] : memref<1024x256xf32, #tpu.memory_space<vmem>>, vector<1024x256xf32>
    %convert_element_type3A = arith.truncf %get3A_1 : vector<1024x256xf32> to vector<1024x256xbf16>
    %get3A_2 = arith.constant 0 : index
    %get3A_3 = arith.constant 0 : index
    %get3A_4 = vector.load %arg5[%get3A_2, %get3A_3] : memref<256x256xf32, #tpu.memory_space<vmem>>, vector<256x256xf32>
    %convert_element_type3A_5 = arith.truncf %get3A_4 : vector<256x256xf32> to vector<256x256xbf16>
    %dot_general3A = arith.constant dense<0.000000e+00> : vector<1024x256xf32>
    %dot_general3A_6 = tpu.matmul %convert_element_type3A, %convert_element_type3A_5, %dot_general3A {dimension_numbers = #tpu.dot_dimension_numbers<[1], [0], [0], [1], [0, 0, 1, 1], [], []>, transpose_lhs_hint = false} : vector<1024x256xbf16>, vector<256x256xbf16>, vector<1024x256xf32> -> vector<1024x256xf32>
    %convert_element_type3A_7 = arith.truncf %dot_general3A_6 : vector<1024x256xf32> to vector<1024x256xbf16>
    %get3A_8 = arith.constant 0 : index
    %get3A_9 = arith.constant 0 : index
    %get3A_10 = vector.load %arg6[%get3A_8, %get3A_9] : memref<1x256xf32, #tpu.memory_space<vmem>>, vector<1x256xf32>
    %convert_element_type3A_11 = arith.truncf %get3A_10 : vector<1x256xf32> to vector<1x256xbf16>
    %add3A = vector.broadcast %convert_element_type3A_11 : vector<1x256xbf16> to vector<1024x256xbf16>
    %add3A_12 = arith.addf %convert_element_type3A_7, %add3A : vector<1024x256xbf16>
    %max3A = arith.constant 0.000000e+00 : bf16
    %max3A_13 = vector.broadcast %max3A : bf16 to vector<1024x256xbf16>
    %max3A_14 = arith.maximumf %add3A_12, %max3A_13 : vector<1024x256xbf16>
    %get3A_15 = arith.constant 0 : index
    %get3A_16 = arith.constant 0 : index
    %get3A_17 = vector.load %arg7[%get3A_15, %get3A_16] : memref<1x256xf32, #tpu.memory_space<vmem>>, vector<1x256xf32>
    %convert_element_type3A_18 = arith.truncf %get3A_17 : vector<1x256xf32> to vector<1x256xbf16>
    %dot_general3A_19 = arith.constant dense<0.000000e+00> : vector<1x1024xf32>
    %dot_general3A_20 = tpu.matmul %convert_element_type3A_18, %max3A_14, %dot_general3A_19 {dimension_numbers = #tpu.dot_dimension_numbers<[1], [1], [0], [0], [0, 0, 1, 0], [], []>, transpose_lhs_hint = false} : vector<1x256xbf16>, vector<1024x256xbf16>, vector<1x1024xf32> -> vector<1x1024xf32>
    %reshape3A = vector.shape_cast %dot_general3A_20 : vector<1x1024xf32> to vector<1024xf32>
    %swap3A = arith.constant 0 : index
    %swap3A_21 = vector.load %arg15[%swap3A] : memref<1024xf32, #tpu.memory_space<vmem>>, vector<1024xf32>
    tpu.vector_store %arg15[%swap3A], %reshape3A {strides = array<i32>} : memref<1024xf32, #tpu.memory_space<vmem>>, vector<1024xf32>,
    %get3A_22 = arith.constant 0 : index
    %get3A_23 = arith.constant 0 : index
    %get3A_24 = vector.load %arg8[%get3A_22, %get3A_23] : memref<256x256xf32, #tpu.memory_space<vmem>>, vector<256x256xf32>
    %convert_element_type3A_25 = arith.truncf %get3A_24 : vector<256x256xf32> to vector<256x256xbf16>
    %dot_general3A_26 = arith.constant dense<0.000000e+00> : vector<1024x256xf32>
    %dot_general3A_27 = tpu.matmul %convert_element_type3A, %convert_element_type3A_25, %dot_general3A_26 {dimension_numbers = #tpu.dot_dimension_numbers<[1], [0], [0], [1], [0, 0, 1, 1], [], []>, transpose_lhs_hint = false} : vector<1024x256xbf16>, vector<256x256xbf16>, vector<1024x256xf32> -> vector<1024x256xf32>
    %convert_element_type3A_28 = arith.truncf %dot_general3A_27 : vector<1024x256xf32> to vector<1024x256xbf16>
    %get3A_29 = arith.constant 0 : index
    %get3A_30 = arith.constant 0 : index
    %get3A_31 = vector.load %arg9[%get3A_29, %get3A_30] : memref<1x256xf32, #tpu.memory_space<vmem>>, vector<1x256xf32>
    %convert_element_type3A_32 = arith.truncf %get3A_31 : vector<1x256xf32> to vector<1x256xbf16>
    %add3A_33 = vector.broadcast %convert_element_type3A_32 : vector<1x256xbf16> to vector<1024x256xbf16>
    %add3A_34 = arith.addf %convert_element_type3A_28, %add3A_33 : vector<1024x256xbf16>
    %max3A_35 = arith.constant 0.000000e+00 : bf16
    %max3A_36 = vector.broadcast %max3A_35 : bf16 to vector<1024x256xbf16>
    %max3A_37 = arith.maximumf %add3A_34, %max3A_36 : vector<1024x256xbf16>
    %get3A_38 = arith.constant 0 : index
    %get3A_39 = arith.constant 0 : index
    %get3A_40 = vector.load %arg10[%get3A_38, %get3A_39] : memref<1x256xf32, #tpu.memory_space<vmem>>, vector<1x256xf32>
    %convert_element_type3A_41 = arith.truncf %get3A_40 : vector<1x256xf32> to vector<1x256xbf16>
    %dot_general3A_42 = arith.constant dense<0.000000e+00> : vector<1x1024xf32>
    %dot_general3A_43 = tpu.matmul %convert_element_type3A_41, %max3A_37, %dot_general3A_42 {dimension_numbers = #tpu.dot_dimension_numbers<[1], [1], [0], [0], [0, 0, 1, 0], [], []>, transpose_lhs_hint = false} : vector<1x256xbf16>, vector<1024x256xbf16>, vector<1x1024xf32> -> vector<1x1024xf32>
    %reshape3A_44 = vector.shape_cast %dot_general3A_43 : vector<1x1024xf32> to vector<1024xf32>
    %swap3A_45 = arith.constant 0 : index
    %swap3A_46 = vector.load %arg16[%swap3A_45] : memref<1024xf32, #tpu.memory_space<vmem>>, vector<1024xf32>
    tpu.vector_store %arg16[%swap3A_45], %reshape3A_44 {strides = array<i32>} : memref<1024xf32, #tpu.memory_space<vmem>>, vector<1024xf32>,
    %get3A_47 = arith.constant 0 : index
    %get3A_48 = arith.constant 0 : index
    %get3A_49 = vector.load %arg2[%get3A_47, %get3A_48] : memref<16x16384xf32, #tpu.memory_space<vmem>>, vector<16x16384xf32>
    %convert_element_type3A_50 = arith.truncf %get3A_49 : vector<16x16384xf32> to vector<16x16384xbf16>
    %get3A_51 = arith.constant 0 : index
    %get3A_52 = arith.constant 0 : index
    %get3A_53 = vector.load %arg11[%get3A_51, %get3A_52] : memref<16x256xf32, #tpu.memory_space<vmem>>, vector<16x256xf32>
    %convert_element_type3A_54 = arith.truncf %get3A_53 : vector<16x256xf32> to vector<16x256xbf16>
    %dot_general3A_55 = arith.constant dense<0.000000e+00> : vector<16384x256xf32>
    %dot_general3A_56 = tpu.matmul %convert_element_type3A_50, %convert_element_type3A_54, %dot_general3A_55 {dimension_numbers = #tpu.dot_dimension_numbers<[0], [0], [1], [1], [0, 1, 1, 1], [], []>, transpose_lhs_hint = false} : vector<16x16384xbf16>, vector<16x256xbf16>, vector<16384x256xf32> -> vector<16384x256xf32>
    %convert_element_type3A_57 = arith.truncf %dot_general3A_56 : vector<16384x256xf32> to vector<16384x256xbf16>
    %get3A_58 = arith.constant 0 : index
    %get3A_59 = arith.constant 0 : index
    %get3A_60 = vector.load %arg12[%get3A_58, %get3A_59] : memref<1x256xf32, #tpu.memory_space<vmem>>, vector<1x256xf32>
    %convert_element_type3A_61 = arith.truncf %get3A_60 : vector<1x256xf32> to vector<1x256xbf16>
    %add3A_62 = vector.broadcast %convert_element_type3A_61 : vector<1x256xbf16> to vector<16384x256xbf16>
    %add3A_63 = arith.addf %convert_element_type3A_57, %add3A_62 : vector<16384x256xbf16>
    %max3A_64 = arith.constant 0.000000e+00 : bf16
    %max3A_65 = vector.broadcast %max3A_64 : bf16 to vector<16384x256xbf16>
    %max3A_66 = arith.maximumf %add3A_63, %max3A_65 : vector<16384x256xbf16>
    %get3A_67 = arith.constant 0 : index
    %get3A_68 = arith.constant 0 : index
    %get3A_69 = vector.load %arg13[%get3A_67, %get3A_68] : memref<1x256xf32, #tpu.memory_space<vmem>>, vector<1x256xf32>
    %convert_element_type3A_70 = arith.truncf %get3A_69 : vector<1x256xf32> to vector<1x256xbf16>
    %dot_general3A_71 = arith.constant dense<0.000000e+00> : vector<1x16384xf32>
    %dot_general3A_72 = tpu.matmul %convert_element_type3A_70, %max3A_66, %dot_general3A_71 {dimension_numbers = #tpu.dot_dimension_numbers<[1], [1], [0], [0], [0, 0, 1, 0], [], []>, transpose_lhs_hint = false} : vector<1x256xbf16>, vector<16384x256xbf16>, vector<1x16384xf32> -> vector<1x16384xf32>
    %reshape3A_73 = vector.shape_cast %dot_general3A_72 : vector<1x16384xf32> to vector<16384xf32>
    %mul3A = arith.constant 16384 : i32
    %mul3A_74 = arith.muli %arg0, %mul3A : i32
    %iota3A = tpu.iota {dimensions = array<i32: 1>} : vector<1x16384xi32>
    %iota3A_75 = vector.shape_cast %iota3A : vector<1x16384xi32> to vector<16384xi32>
    %add3A_76 = vector.broadcast %mul3A_74 : i32 to vector<16384xi32>
    %add3A_77 = arith.addi %add3A_76, %iota3A_75 : vector<16384xi32>
    %lt3A = arith.constant 160000 : i32
    %lt3A_78 = vector.broadcast %lt3A : i32 to vector<16384xi32>
    %lt3A_79 = arith.cmpi slt, %add3A_77, %lt3A_78 : vector<16384xi32>
    %get3A_80 = arith.constant 0 : index
    %get3A_81 = arith.constant 0 : index
    %get3A_82 = vector.load %arg14[%get3A_80, %get3A_81] : memref<1x1xf32, #tpu.memory_space<vmem>>, vector<1x1xf32>
    %get3A_83 = vector.extract %get3A_82[0, 0] : f32 from vector<1x1xf32>
    %add3A_84 = vector.broadcast %get3A_83 : f32 to vector<16384xf32>
    %add3A_85 = arith.addf %reshape3A_73, %add3A_84 : vector<16384xf32>
    %get3A_86 = arith.constant 0 : index
    %get3A_87 = vector.load %arg4[%get3A_86] : memref<16384xf32, #tpu.memory_space<vmem>>, vector<16384xf32>
    %add3A_88 = arith.addf %add3A_85, %get3A_87 : vector<16384xf32>
    %jit3A = arith.constant -1.000000e+09 : f32
    %broadcast_in_dim3A = vector.broadcast %jit3A : f32 to vector<16384xf32>
    %select_n3A = arith.select %lt3A_79, %add3A_88, %broadcast_in_dim3A : vector<16384xi1>, vector<16384xf32>
    %swap3A_89 = arith.constant 0 : index
    %swap3A_90 = vector.load %arg17[%swap3A_89] : memref<16384xf32, #tpu.memory_space<vmem>>, vector<16384xf32>
    tpu.vector_store %arg17[%swap3A_89], %select_n3A {strides = array<i32>} : memref<16384xf32, #tpu.memory_space<vmem>>, vector<16384xf32>,
    %broadcast_in_dim3A_91 = arith.constant 0 : i32
    %broadcast_in_dim3A_92 = vector.broadcast %broadcast_in_dim3A_91 : i32 to vector<16384xi32>
    %get3A_93 = arith.constant 0 : index
    %get3A_94 = arith.constant 0 : index
    %get3A_95 = vector.load %arg3[%get3A_93, %get3A_94] : memref<2x16384xi32, #tpu.memory_space<vmem>>, vector<1x16384xi32>
    %get3A_96 = vector.shape_cast %get3A_95 : vector<1x16384xi32> to vector<16384xi32>
    %select_n3A_97 = arith.select %lt3A_79, %get3A_96, %broadcast_in_dim3A_92 : vector<16384xi1>, vector<16384xi32>
    %swap3A_98 = arith.constant 0 : index
    %swap3A_99 = vector.load %arg18[%swap3A_98] : memref<16384xi32, #tpu.memory_space<vmem>>, vector<16384xi32>
    tpu.vector_store %arg18[%swap3A_98], %select_n3A_97 {strides = array<i32>} : memref<16384xi32, #tpu.memory_space<vmem>>, vector<16384xi32>,
    %get3A_100 = arith.constant 1 : index
    %get3A_101 = arith.constant 0 : index
    %get3A_102 = vector.load %arg3[%get3A_100, %get3A_101] : memref<2x16384xi32, #tpu.memory_space<vmem>>, vector<1x16384xi32>
    %get3A_103 = vector.shape_cast %get3A_102 : vector<1x16384xi32> to vector<16384xi32>
    %select_n3A_104 = arith.select %lt3A_79, %get3A_103, %broadcast_in_dim3A_92 : vector<16384xi1>, vector<16384xi32>
    %swap3A_105 = arith.constant 0 : index
    %swap3A_106 = vector.load %arg19[%swap3A_105] : memref<16384xi32, #tpu.memory_space<vmem>>, vector<16384xi32>
    tpu.vector_store %arg19[%swap3A_105], %select_n3A_104 {strides = array<i32>} : memref<16384xi32, #tpu.memory_space<vmem>>, vector<16384xi32>,
    return
  }
  func.func @transform_0(%arg0: i32) -> (i32, i32) {
    %c0_i32 = arith.constant 0 : i32
    %c0_i32_0 = arith.constant 0 : i32
    return %arg0, %c0_i32 : i32, i32
  }
  func.func @transform_1(%arg0: i32) -> (i32, i32) {
    %c0_i32 = arith.constant 0 : i32
    %c0_i32_0 = arith.constant 0 : i32
    return %c0_i32, %arg0 : i32, i32
  }
  func.func @transform_2(%arg0: i32) -> (i32, i32) {
    %c0_i32 = arith.constant 0 : i32
    %c0_i32_0 = arith.constant 0 : i32
    return %c0_i32, %arg0 : i32, i32
  }
  func.func @transform_3(%arg0: i32) -> i32 {
    %c0_i32 = arith.constant 0 : i32
    return %arg0 : i32
  }
  func.func @transform_4(%arg0: i32) -> (i32, i32) {
    %c0_i32 = arith.constant 0 : i32
    %c0_i32_0 = arith.constant 0 : i32
    %c0_i32_1 = arith.constant 0 : i32
    return %c0_i32, %c0_i32_0 : i32, i32
  }
  func.func @transform_5(%arg0: i32) -> (i32, i32) {
    %c0_i32 = arith.constant 0 : i32
    %c0_i32_0 = arith.constant 0 : i32
    %c0_i32_1 = arith.constant 0 : i32
    return %c0_i32, %c0_i32_0 : i32, i32
  }
  func.func @transform_6(%arg0: i32) -> (i32, i32) {
    %c0_i32 = arith.constant 0 : i32
    %c0_i32_0 = arith.constant 0 : i32
    %c0_i32_1 = arith.constant 0 : i32
    return %c0_i32, %c0_i32_0 : i32, i32
  }
  func.func @transform_7(%arg0: i32) -> (i32, i32) {
    %c0_i32 = arith.constant 0 : i32
    %c0_i32_0 = arith.constant 0 : i32
    %c0_i32_1 = arith.constant 0 : i32
    return %c0_i32, %c0_i32_0 : i32, i32
  }
  func.func @transform_8(%arg0: i32) -> (i32, i32) {
    %c0_i32 = arith.constant 0 : i32
    %c0_i32_0 = arith.constant 0 : i32
    %c0_i32_1 = arith.constant 0 : i32
    return %c0_i32, %c0_i32_0 : i32, i32
  }
  func.func @transform_9(%arg0: i32) -> (i32, i32) {
    %c0_i32 = arith.constant 0 : i32
    %c0_i32_0 = arith.constant 0 : i32
    %c0_i32_1 = arith.constant 0 : i32
    return %c0_i32, %c0_i32_0 : i32, i32
  }
  func.func @transform_10(%arg0: i32) -> (i32, i32) {
    %c0_i32 = arith.constant 0 : i32
    %c0_i32_0 = arith.constant 0 : i32
    %c0_i32_1 = arith.constant 0 : i32
    return %c0_i32, %c0_i32_0 : i32, i32
  }
  func.func @transform_11(%arg0: i32) -> (i32, i32) {
    %c0_i32 = arith.constant 0 : i32
    %c0_i32_0 = arith.constant 0 : i32
    %c0_i32_1 = arith.constant 0 : i32
    return %c0_i32, %c0_i32_0 : i32, i32
  }
  func.func @transform_12(%arg0: i32) -> (i32, i32) {
    %c0_i32 = arith.constant 0 : i32
    %c0_i32_0 = arith.constant 0 : i32
    %c0_i32_1 = arith.constant 0 : i32
    return %c0_i32, %c0_i32_0 : i32, i32
  }
  func.func @transform_13(%arg0: i32) -> (i32, i32) {
    %c0_i32 = arith.constant 0 : i32
    %c0_i32_0 = arith.constant 0 : i32
    %c0_i32_1 = arith.constant 0 : i32
    return %c0_i32, %c0_i32_0 : i32, i32
  }
  func.func @transform_14(%arg0: i32) -> i32 {
    %c0_i32 = arith.constant 0 : i32
    return %arg0 : i32
  }
  func.func @transform_15(%arg0: i32) -> i32 {
    %c0_i32 = arith.constant 0 : i32
    return %arg0 : i32
  }
  func.func @transform_16(%arg0: i32) -> i32 {
    %c0_i32 = arith.constant 0 : i32
    return %arg0 : i32
  }
  func.func @transform_17(%arg0: i32) -> i32 {
    %c0_i32 = arith.constant 0 : i32
    return %arg0 : i32
  }
  func.func @transform_18(%arg0: i32) -> i32 {
    %c0_i32 = arith.constant 0 : i32
    return %arg0 : i32
  }
}

</mosaic_0001>

<sc_bundles>
// kernel: kernel.4.cloned.1.call-start
scs
__scs_entry_jumppad:
0x0: {  	(pc) =	sbr.rel $0x88, $3  }
0x1: {  	(tag) =	ssettag $0x0;
	lr =	simm.s32 $0x1  }
0x2: {  	[smem:$0x3F92] =	sst lr;
	_ =	strace $0xD0000000  }
0x3: {  	_ = 	snop  }
0x4: {  	_ = 	snop  }
0x5: {  	_ = 	snop  }
0x6: {  	_ = 	snop  }
0x7: {  	_ = 	snop  }
__scs_overlays_trampoline_lowered:
0x8: {  	[smem:$0x3FA1] =	sst s0  }
0x9: {  	[smem:$0x3FA2] =	sst s1  }
0xa: {  	[smem:$0x3FA3] =	sst s2  }
0xb: {  	[smem:$0x3FA4] =	sst s3  }
0xc: {  	[smem:$0x3FA5] =	sst s4  }
0xd: {  	[smem:$0x3FA6] =	sst s5  }
0xe: {  	[smem:$0x3FA7] =	sst s6  }
0xf: {  	[smem:$0x3FA8] =	sst s7  }
0x10: {  	[smem:$0x3FA9] =	sst s8  }
0x11: {  	[smem:$0x3FAA] =	sst s9;
	s0 =	simm.s32 @!p0 $0x0  }
0x12: {  	s1 =	sld [smem:$0x3F90];
	s0 =	simm.s32 @p0 $0x1  }
0x13: {  	[smem:$0x3FAB] =	sst s0;
	s0 =	simm.s32 @!p1 $0x0  }
0x14: {  	s2 =	sld [smem:$0x3F8F];
	s0 =	simm.s32 @p1 $0x1  }
0x15: {  	[smem:$0x3FAC] =	sst s0;
	s0 =	simm.s32 @!p2 $0x0  }
0x16: {  	s3 =	sld [smem:$0x3FDB];
	s0 =	simm.s32 @p2 $0x1  }
0x17: {  	s4 =	simm.s32 $0x1BF5;
	[smem:$0x3FAE] =	sst s0  }
0x18: {  	s0 =	sld [smem:$0x3F91];
	_ =	swait.ge [sflag:s4], $0x0  }
0x19: {  	s7 =	sld [smem:$0x3F92]  }
0x1a: {  	s8 =	sadd.s32 $0xFFFFE003, lr  }
0x1b: {  	s9 =	sadd.s32 $0xFFFFFEF7, lr;
	s5 =	simm.s32 $0xFFFFFFFF;
	p2 =	slt.u32 s8, $0xFFFFF086  }
0x1c: {  	p1 =	slt.u32 s9, $0xF7A;
	s5 =	simm.s32 @!p2 $0x0  }
0x1d: {  	s5 =	simm.s32 @p1 $0x1;
	p0 =	seq.s32 s7, s2  }
0x1e: {  	s7 =	smul.u32 @!p0 $0xF7A, s2;
	p2 =	seq.s32 @!p0 s5, $0x0  }
0x1f: {  	s9 =	smul.u32 $0xF7A, s1;
	s8 =	simm.s32 @!p0 $0x1BF5;
	p2 =	por !p2, p0  }
0x20: {  	[sflag:s8] =	ssyncset.s32 @!p0 $0xFFFFF086;
	s6 =	sadd.s32 @!p0 s3, s7;
	s7 =	simm.s32 @!p0 $0x108  }
0x21: {  	s3 =	sadd.s32 s3, s9;
	s6 =	sadd.s32 @!p0 $0x88, s6;
	s7 =	simm.s32 @p2 $0x1082  }
0x22: {  	[simem:s7], [sflag:s8] =	dma.local @!p0 [hbm:s6], $0xF7A  }
0x23: {  	s9 =	sor.u32 $0xD0000000, s2;
	s6 =	simm.s32 $0x108;
	_ =	swait.ge @!p0 [sflag:s8], $0x0  }
0x24: {  	s3 =	sadd.s32 $0x88, s3;
	s6 =	simm.s32 @!p1 $0x1082;
	[sflag:s4] =	ssyncset.s32 $0xFFFFF086  }
0x25: {  	[simem:s6], [sflag:s4] =	dma.local [hbm:s3], $0xF7A  }
0x26: {  	[smem:$0x3F92] =	sst s1;
	(tag) =	ssettag s2;
	_ =	strace s9  }
0x27: {  	s1 =	sld [smem:$0x3FA2]  }
0x28: {  	s2 =	sld [smem:$0x3FA3]  }
0x29: {  	s4 =	sld [smem:$0x3FA5]  }
0x2a: {  	p0 =	seq.s32 s5, $0x0;
	s5 =	sld [smem:$0x3FA6]  }
0x2b: {  	s6 =	sld [smem:$0x3FA7]  }
0x2c: {  	s7 =	sld [smem:$0x3FA8]  }
0x2d: {  	s3 =	simm.s32 $0x108;
	s8 =	sld [smem:$0x3FA9]  }
0x2e: {  	s3 =	simm.s32 @!p0 $0x1082;
	s9 =	sld [smem:$0x3FAA]  }
0x2f: {  	lr =	sadd.s32 s0, s3;
	s0 =	sld [smem:$0x3FA1]  }
0x30: {  	s3 =	sld [smem:$0x3FA4]  }
0x31: {  	[smem:$0x3FAD] =	sst s10  }
0x32: {  	s10 =	sld [smem:$0x3FAB];
	_ =	sdelay $0x3  }
0x33: {  	p0 =	seq.s32 s10, $0x1;
	s10 =	sld [smem:$0x3FAD];
	_ =	sdelay $0x3  }
0x34: {  	[smem:$0x3FAD] =	sst s10  }
0x35: {  	s10 =	sld [smem:$0x3FAC];
	_ =	sdelay $0x3  }
0x36: {  	p1 =	seq.s32 s10, $0x1;
	s10 =	sld [smem:$0x3FAD];
	_ =	sdelay $0x3  }
0x37: {  	[smem:$0x3FAD] =	sst s10  }
0x38: {  	s10 =	sld [smem:$0x3FAE]  }
0x39: {  	_ = 	snop;
	(pc) =	sbr.ind lr, $3  }
0x3a: {  	_ = 	snop  }
0x3b: {  	_ = 	snop  }
0x3c: {  	p2 =	seq.s32 s10, $0x1;
	s10 =	sld [smem:$0x3FAD]  }
0x3d: {  	_ =	shalt  }
0x3e: {  	_ =	shalt  }
0x3f: {  	_ =	shalt  }
0x40: {  	_ =	shalt  }
0x41: {  	_ =	shalt  }
0x42: {  	_ =	shalt  }
0x43: {  	_ =	shalt  }
0x44: {  	_ =	shalt  }
0x45: {  	_ =	shalt  }
0x46: {  	_ =	shalt  }
0x47: {  	_ =	shalt  }
0x48: {  	_ =	shalt  }
0x49: {  	_ =	shalt  }
0x4a: {  	_ =	shalt  }
0x4b: {  	_ =	shalt  }
0x4c: {  	_ =	shalt  }
0x4d: {  	_ =	shalt  }
0x4e: {  	_ =	shalt  }
0x4f: {  	_ =	shalt  }
0x50: {  	_ =	shalt  }
0x51: {  	_ =	shalt  }
0x52: {  	_ =	shalt  }
0x53: {  	_ =	shalt  }
0x54: {  	_ =	shalt  }
0x55: {  	_ =	shalt  }
0x56: {  	_ =	shalt  }
0x57: {  	_ =	shalt  }
0x58: {  	_ =	shalt  }
0x59: {  	_ =	shalt  }
0x5a: {  	_ =	shalt  }
0x5b: {  	_ =	shalt  }
0x5c: {  	_ =	shalt  }
0x5d: {  	_ =	shalt  }
0x5e: {  	_ =	shalt  }
0x5f: {  	_ =	shalt  }
0x60: {  	_ =	shalt  }
0x61: {  	_ =	shalt  }
0x62: {  	_ =	shalt  }
0x63: {  	_ =	shalt  }
0x64: {  	_ =	shalt  }
0x65: {  	_ =	shalt  }
0x66: {  	_ =	shalt  }
0x67: {  	_ =	shalt  }
0x68: {  	_ =	shalt  }
0x69: {  	_ =	shalt  }
0x6a: {  	_ =	shalt  }
0x6b: {  	_ =	shalt  }
0x6c: {  	_ =	shalt  }
0x6d: {  	_ =	shalt  }
0x6e: {  	_ =	shalt  }
0x6f: {  	_ =	shalt  }
0x70: {  	_ =	shalt  }
0x71: {  	_ =	shalt  }
0x72: {  	_ =	shalt  }
0x73: {  	_ =	shalt  }
0x74: {  	_ =	shalt  }
0x75: {  	_ =	shalt  }
0x76: {  	_ =	shalt  }
0x77: {  	_ =	shalt  }
0x78: {  	_ =	shalt  }
0x79: {  	_ =	shalt  }
0x7a: {  	_ =	shalt  }
0x7b: {  	_ =	shalt  }
0x7c: {  	_ =	shalt  }
0x7d: {  	_ =	shalt  }
0x7e: {  	_ =	shalt  }
0x7f: {  	_ =	shalt  }
0x80: {  	_ =	shalt  }
0x81: {  	_ =	shalt  }
0x82: {  	_ =	shalt  }
0x83: {  	_ =	shalt  }
0x84: {  	_ =	shalt  }
0x85: {  	_ =	shalt  }
0x86: {  	_ =	shalt  }
0x87: {  	_ =	shalt  }
.Lfunc_end0:
.L_simem_size_0:
called_computation_lowered:
.L_overlay_start_0:
0x88: {  	s2 =	sld [smem:$0x3FD9]  }
0x89: {  	s3 =	sld [smem:$0x3FFE];
	_ =	sdelay $0x1  }
0x8a: {  	s1 =	srdreg.scid  }
0x8b: {  	s0 =	sand.u32 $0x1, s1  }
0x8c: {  	s14 =	sshll.u32 s0, $0xA;
	s2 =	sadd.s32 s3, s2  }
0x8d: {  	s2 =	sadd.s32 s2, s14  }
0x8e: {  	[smem:$0x3FB9] =	sst s2  }
0x8f: {  	_ = 	snop  }
0x90: {  	s2 =	sld [smem:$0x3FD0];
	_ =	sdelay $0x2  }
0x91: {  	s15 =	simm.s32 $0xA;
	s4 =	simm.s32 $0x10  }
0x92: {  	[smem:s4], [sflag:s15] =	dma.local [hbm:s2], $0x1  }
0x93: {  	_ =	swait.eq [sflag:s15], $0x1  }
0x94: {  	[sflag:s15] =	ssyncset.done $0x0  }
0x95: {  	[sflag:s15] =	ssyncadd.s32 $0xFFFFFFFF  }
0x96: {  	s16 =	sld [smem:$0x11];
	(tm) =	ssettm $0x1  }
0x97: {  	s17 =	sld [smem:$0x3FFB];
	_ =	sdelay $0x3  }
0x98: {  	_ =	strace s17  }
0x99: {  	s3 =	sld [smem:$0x3FFC];
	_ =	sdelay $0x3  }
0x9a: {  	_ =	strace s3  }
0x9b: {  	s3 =	sld [smem:$0x3FFD];
	_ =	sdelay $0x3  }
0x9c: {  	_ =	strace s3  }
0x9d: {  	_ =	strace $0x8FFFFFFF  }
0x9e: {  	s18 =	sld [smem:$0x3FDB];
	_ =	sdelay $0x1  }
0x9f: {  	s19 =	simm.s32 $_scs_section_size  }
0xa0: {  	s5 =	simm.s32 $_size__tile_overlayer_lowered;
	s6 =	simm.s32 $_tile_overlayer_lowered  }
0xa1: {  	s22 =	simm.s32 $0x1BFF;
	s21 =	sshll.u32 s6, $0x1;
	s3 =	sadd.s32 s19, s18  }
0xa2: {  	s7 =	simm.s32 $0x0;
	s20 =	sshll.u32 s5, $0x1;
	s5 =	sadd.s32 s21, s3  }
0xa3: {  	[timem:s7], [sflag:s22] =	dma.local [hbm:s5], s20  }
0xa4: {  	_ =	swait.ge [sflag:s22], s20  }
0xa5: {  	s4 =	ssub.s32 $0x0, s20;
	[sflag:s22] =	ssyncset.done $0x0  }
0xa6: {  	[sflag:s22] =	ssyncadd.s32 s4;
	_ =	sdelay $0x1  }
0xa7: {  	s23 =	simm.s32 $0x1B8B  }
0xa8: {  	_ =	swait.ge [sflag:s23], $0x1  }
0xa9: {  	[sflag:s23] =	ssyncset.done $0x0  }
0xaa: {  	s25 =	simm.s32 $0x1B8E;
	s24 =	sld [smem:$0x3FFE];
	[sflag:s23] =	ssyncadd.s32 $0xFFFFFFFF  }
0xab: {  	s26 =	simm.s32 $execute0_lowered;
	[smem:$0x3FD2] =	sst s25  }
0xac: {  	s5 =	sshll.u32 s26, $0x1;
	_ =	strace $0x80000046;
	[dreg:$0x1] =	wrdreg $0xFFFFFFFF  }
0xad: {  	s28 =	simm.s32 $_size_execute0_lowered;
	s3 =	sadd.s32 s3, s5;
	[dreg:$0x0] =	wrdreg $0x0  }
0xae: {  	s5 =	sshll.u32 s28, $0x1;
	[dreg:$0x2] =	wrdreg s3  }
0xaf: {  	[dreg:$0x3] =	wrdreg s5  }
0xb0: {  	[dreg:$0x4] =	wrdreg $0xC0  }
0xb1: {  	_ =	task [dreg:s7], $0x5FFFF  }
0xb2: {  	[dreg:$0x1] =	wrdreg $0xFFFFFFFF  }
0xb3: {  	[dreg:$0x0] =	wrdreg $0x60  }
0xb4: {  	[dreg:$0x2] =	wrdreg s16  }
0xb5: {  	[dreg:$0x3] =	wrdreg s24  }
0xb6: {  	[dreg:$0x4] =	wrdreg $0x9  }
0xb7: {  	_ =	task.clear_ibuf [dreg:s7], $0x5FFFF;
	_ =	strace $0x90000046  }
0xb8: {  	s29 =	simm.s32 $0x9;
	_ =	strace $0x80000048  }
0xb9: {  	_ =	swait.ge [sflag:s29], $0x1  }
0xba: {  	[sflag:s29] =	ssyncadd.s32 $0xFFFFFFFF  }
0xbb: {  	_ =	strace $0x90000048  }
0xbc: {  	_ =	sfence  }
0xbd: {  	s30 =	sld [smem:$0x0];
	_ =	sdelay $0x2  }
0xbe: {  	s31 =	sshll.u32 s1, $0xD;
	s1 =	sshrl.u32 s1, $0x2  }
0xbf: {  	s3 =	sand.u32 $0x4000, s31;
	s1 =	sadd.s32 s1, s30  }
0xc0: {  	s0 =	sor.u32 s3, s0;
	s1 =	sshll.u32 s1, $0x11  }
0xc1: {  	s0 =	sor.u32 s1, s0  }
0xc2: {  	s0 =	sadd.s32 $0x8F2B, s0  }
0xc3: {  	[sflag:s0] =	ssyncadd.remote.s32 $0x1  }
0xc4: {  	_ =	sfence.sel $0xFFFF  }
0xc5: {  	[dreg:$0x0] =	wrdreg $0xFFFFFFFF;
	(pc) =	sbr.abs _section_cstart, $3  }
0xc6: {  	[dreg:$0x1] =	wrdreg $0xFFFFFFFF  }
0xc7: {  	_ =	task.clear_ibuf [dreg:s7], $0x2FFFF;
	_ =	strace $0x9FFFFFFF  }
0xc8: {  	(tm) =	ssettm $0x7FFFFFFF  }
0xc9: {  	_ =	shalt  }
tec
execute0_lowered:
.L_overlay_start_1:
0x0: {  	(tag) =	ssettag $0x1  }
0x1: {  	s2 =	rddreg [dreg:$0x0]  }
0x2: {  	s5 =	rddreg [dreg:$0x1]  }
0x3: {  	s0 =	rddreg [dreg:$0x2]  }
0x4: {  	s4 =	srdreg.scid;
	s1 =	stileid.u32;
	s3 =	simm.s32 $0x0  }
0x5: {  	s12 =	simm.s32 $0x2800;
	s13 =	simm.s32 $0x5000;
	s14 =	simm.s32 $0x6400  }
0x6: {  	s15 =	simm.s32 $0x7800;
	s6 =	sand.u32 $0x1, s4;
	s30 =	sshll.u32 s1, $0x1  }
0x7: {  	s17 =	simm.s32 $0x0;
	[smem:$0x7FF] =	sst s3;
	s16 =	sor.u32 s6, s30  }
0x8: {  	s4 =	sadd.s32 $0x11800, s5;
	s6 =	ssub.s32 $0x2, s6;
	s7 =	smul.u32 $0x280, s16  }
0x9: {  	_ =	strace $0x80000047;
	s8 =	sshll.u32 s16, $0x4;
	s31 =	sshrl.u32 s6, $0x1  }
0xa: {  	p0 =	seq.s32 s16, $0x1F;
	s16 =	simm.s32 $0xA000;
	s9 =	sadd.s32 s7, s5  }
0xb: {  	s10 =	sadd.s32 s8, s5;
	s11 =	ssub.s32 s6, s31;
	s5 =	sadd.s32 $0x7800, s9  }
0xc: {  	s6 =	sadd.s32 $0xC800, s9;
	s7 =	sadd.s32 $0x2800, s9;
	s8 =	sadd.s32 $0x11E00, s9  }
0xd: {  	s9 =	sadd.s32 $0x16E00, s10;
	s10 =	smax.u32 s11, $0x1;
	s11 =	simm.s32 $0x1  }
.LBB2_1:
0xe: {  	[tilespmem:s3], [sflag:$0x1] =	stream.linear.gather [hbm4b:s2+s3], $0x2800, $0x38;
	[tilespmem:$0xA080] =	vst v63  }
0xf: {  	_ =	swait.ge [sflag:s11], $0x2800  }
0x10: {  	[sflag:s11] =	ssyncset.done $0x0  }
0x11: {  	[sflag:s11] =	ssyncadd.s32 $0xFFFFD800  }
0x12: {  	[tilespmem:s12], [sflag:$0x1] =	stream.linear.gather [hbm4b:s4+s3], $0x2800, $0x38;
	[tilespmem:$0xA080] =	vst v63  }
0x13: {  	_ =	swait.ge [sflag:s11], $0x2800  }
0x14: {  	[sflag:s11] =	ssyncset.done $0x0  }
0x15: {  	[sflag:s11] =	ssyncadd.s32 $0xFFFFD800  }
0x16: {  	[tilespmem:s13], [sflag:$0x1] =	stream.linear.gather [hbm4b:s5+s3], $0x1400, $0x38;
	[tilespmem:$0xA080] =	vst v63  }
0x17: {  	_ =	swait.ge [sflag:s11], $0x1400  }
0x18: {  	[sflag:s11] =	ssyncset.done $0x0  }
0x19: {  	[sflag:s11] =	ssyncadd.s32 $0xFFFFEC00  }
0x1a: {  	[tilespmem:s14], [sflag:$0x1] =	stream.linear.gather [hbm4b:s6+s3], $0x1400, $0x38;
	[tilespmem:$0xA080] =	vst v63  }
0x1b: {  	_ =	swait.ge [sflag:s11], $0x1400  }
0x1c: {  	[sflag:s11] =	ssyncset.done $0x0  }
0x1d: {  	[sflag:s11] =	ssyncadd.s32 $0xFFFFEC00  }
0x1e: {  	[tilespmem:s15], [sflag:$0x1] =	stream.linear.gather [hbm4b:s7+s3], $0x1400, $0x38;
	[tilespmem:$0xA080] =	vst v63  }
0x1f: {  	_ =	swait.ge [sflag:s11], $0x1400  }
0x20: {  	[sflag:s11] =	ssyncset.done $0x0  }
0x21: {  	s18 =	simm.s32 $0x7840;
	[sflag:s11] =	ssyncadd.s32 $0xFFFFEC00  }
0x22: {  	v1 =	vld [tilespmem:s18+$0x20]  }
0x23: {  	v3 =	vld [tilespmem:s18+$0x10]  }
0x24: {  	s19 =	simm.s32 $0x6440;
	v0 =	vld [tilespmem:s18+$0x0]  }
0x25: {  	v2 =	vld [tilespmem:s19+$0x30]  }
0x26: {  	v4 =	vld [tilespmem:s18+$0xFFFFFFF0]  }
0x27: {  	s20 =	simm.s32 $0x5040;
	v5 =	vld [tilespmem:s19+$0x20]  }
0x28: {  	v6 =	vld [tilespmem:s20+$0x30]  }
0x29: {  	v7 =	vld [tilespmem:s18+$0xFFFFFFE0]  }
0x2a: {  	v8 =	vld [tilespmem:s19+$0x10]  }
0x2b: {  	v9 =	vld [tilespmem:s20+$0x20]  }
0x2c: {  	v10 =	vld [tilespmem:s18+$0xFFFFFFD0]  }
0x2d: {  	v11 =	vld [tilespmem:s19+$0x0]  }
0x2e: {  	v12 =	vld [tilespmem:s20+$0x10]  }
0x2f: {  	v13 =	vld [tilespmem:s18+$0xFFFFFFC0]  }
0x30: {  	v14 =	vld [tilespmem:s19+$0xFFFFFFF0]  }
0x31: {  	v15 =	vld [tilespmem:s19+$0xFFFFFFE0]  }
0x32: {  	v16 =	vld [tilespmem:s20+$0xFFFFFFC0]  }
0x33: {  	v17 =	vld [tilespmem:s20+$0xFFFFFFD0]  }
0x34: {  	v18 =	vld [tilespmem:s19+$0xFFFFFFC0]  }
0x35: {  	v19 =	vld [tilespmem:s20+$0xFFFFFFE0]  }
0x36: {  	v20 =	vld [tilespmem:s19+$0xFFFFFFD0]  }
0x37: {  	v21 =	vld [tilespmem:s20+$0xFFFFFFF0]  }
0x38: {  	v22 =	vld [tilespmem:s20+$0x0];
	s19 =	simm.s32 $0x50C0  }
0x39: {  	v45 =	vld [tilespmem:s19+$0xFFFFFFC0]  }
0x3a: {  	v46 =	vld [tilespmem:s19+$0xFFFFFFD0]  }
0x3b: {  	v23 =	vld [tilespmem:s19+$0xFFFFFFF0]  }
0x3c: {  	v26 =	vld [tilespmem:s19+$0x0]  }
0x3d: {  	v15 =	vld.idx.msk [tilespmem:v15+s12+$0x0], $0xffff  }
0x3e: {  	v16 =	vld.idx.msk [tilespmem:v16+s3+$0x0], $0xffff  }
0x3f: {  	v17 =	vld.idx.msk [tilespmem:v17+s3+$0x0], $0xffff  }
0x40: {  	v18 =	vld.idx.msk [tilespmem:v18+s12+$0x0], $0xffff  }
0x41: {  	v19 =	vld.idx.msk [tilespmem:v19+s3+$0x0], $0xffff  }
0x42: {  	v20 =	vld.idx.msk [tilespmem:v20+s12+$0x0], $0xffff  }
0x43: {  	v21 =	vld.idx.msk [tilespmem:v21+s3+$0x0], $0xffff  }
0x44: {  	v14 =	vld.idx.msk [tilespmem:v14+s12+$0x0], $0xffff;
	v13 =	vadd.f32 v13, v16  }
0x45: {  	v22 =	vld.idx.msk [tilespmem:v22+s3+$0x0], $0xffff  }
0x46: {  	v11 =	vld.idx.msk [tilespmem:v11+s12+$0x0], $0xffff;
	v10 =	vadd.f32 v10, v17;
	v13 =	vadd.f32 v13, v18  }
0x47: {  	v12 =	vld.idx.msk [tilespmem:v12+s3+$0x0], $0xffff;
	v7 =	vadd.f32 v7, v19  }
0x48: {  	v8 =	vld.idx.msk [tilespmem:v8+s12+$0x0], $0xffff;
	v10 =	vadd.f32 v10, v20;
	v13 =	vmul.f32 $-2.000000000e+00, v13  }
0x49: {  	v9 =	vld.idx.msk [tilespmem:v9+s3+$0x0], $0xffff;
	v4 =	vadd.f32 v4, v21;
	v7 =	vadd.f32 v7, v15  }
0x4a: {  	v5 =	vld.idx.msk [tilespmem:v5+s12+$0x0], $0xffff;
	v10 =	vmul.f32 $-2.000000000e+00, v10;
	v13 =	vmul.f32 $1.442695020e+00, v13  }
0x4b: {  	v6 =	vld.idx.msk [tilespmem:v6+s3+$0x0], $0xffff;
	v4 =	vadd.f32 v4, v14;
	v14 =	vadd.f32 v0, v22;
	v7 =	vmul.f32 $-2.000000000e+00, v7  }
0x4c: {  	v15 =	vld [tilespmem:s18+$0x30];
	v10 =	vmul.f32 $1.442695020e+00, v10;
	(erf) = vpow2.f32 v13  }
0x4d: {  	v49 =	vld [tilespmem:s19+$0xFFFFFFE0];
	v3 =	vadd.f32 v3, v12;
	v4 =	vmul.f32 $-2.000000000e+00, v4;
	v11 =	vadd.f32 v14, v11  }
0x4e: {  	s21 =	simm.s32 $0x78C0;
	v42 =	vld.idx.msk [tilespmem:v2+s12+$0x0], $0xffff;
	v7 =	vmul.f32 $1.442695020e+00, v7;
	(erf) = vpow2.f32 v10  }
0x4f: {  	v2 =	vld [tilespmem:s21+$0x10];
	v1 =	vadd.f32 v1, v9;
	v3 =	vadd.f32 v3, v8;
	v11 =	vmul.f32 $-2.000000000e+00, v11  }
0x50: {  	v23 =	vld.idx.msk [tilespmem:v23+s3+$0x0], $0xffff;
	v4 =	vmul.f32 $1.442695020e+00, v4;
	(erf) = vpow2.f32 v7  }
0x51: {  	v57 =	vld.idx.msk [tilespmem:v26+s3+$0x0], $0xffff;
	v1 =	vadd.f32 v1, v5;
	v3 =	vmul.f32 $-2.000000000e+00, v3;
	v5 =	vadd.f32 v15, v6  }
0x52: {  	v12 =	vld [tilespmem:s21+$0x0];
	v6 =	vmul.f32 $1.442695020e+00, v11;
	(erf) = vpow2.f32 v4  }
0x53: {  	v9 =	vld [tilespmem:s21+$0xFFFFFFF0];
	v1 =	vmul.f32 $-2.000000000e+00, v1;
	v5 =	vadd.f32 v5, v42  }
0x54: {  	v0 =	vld [tilespmem:s21+$0x20];
	v3 =	vmul.f32 $1.442695020e+00, v3;
	(erf) = vpow2.f32 v6  }
0x55: {  	s18 =	simm.s32 $0x64C0;
	v18 =	vld.idx.msk [tilespmem:v45+s3+$0x0], $0xffff;
	v1 =	vmul.f32 $1.442695020e+00, v1;
	v5 =	vmul.f32 $-2.000000000e+00, v5;
	v11 =	vpop (erf)  }
0x56: {  	v48 =	vld [tilespmem:s18+$0xFFFFFFC0];
	(erf) = vpow2.f32 v3;
	v11 =	vadd.f32 $1.000000000e+00, v11  }
0x57: {  	v8 =	vld [tilespmem:s18+$0x10];
	v5 =	vmul.f32 $1.442695020e+00, v5;
	v15 =	vpop (erf);
	(erf) = vpow2.f32 v1  }
0x58: {  	v51 =	vld [tilespmem:s18+$0xFFFFFFD0];
	v15 =	vadd.f32 $1.000000000e+00, v15;
	(erf) = vrcp.f32 v11  }
0x59: {  	v14 =	vld [tilespmem:s21+$0xFFFFFFD0];
	v43 =	vpop (erf);
	(erf) = vpow2.f32 v5  }
0x5a: {  	v13 =	vld [tilespmem:s19+$0x30];
	v16 =	vadd.f32 $1.000000000e+00, v43;
	(erf) = vrcp.f32 v15  }
0x5b: {  	v10 =	vld [tilespmem:s18+$0x30];
	v44 =	vpop (erf)  }
0x5c: {  	v7 =	vld [tilespmem:s18+$0x20];
	v17 =	vadd.f32 $1.000000000e+00, v44;
	(erf) = vrcp.f32 v16  }
0x5d: {  	v4 =	vld [tilespmem:s21+$0xFFFFFFE0];
	v47 =	vpop (erf)  }
0x5e: {  	v20 =	vld.idx.msk [tilespmem:v48+s12+$0x0], $0xffff;
	v19 =	vadd.f32 $1.000000000e+00, v47;
	(erf) = vrcp.f32 v17  }
0x5f: {  	v6 =	vld [tilespmem:s19+$0x20];
	v50 =	vpop (erf)  }
0x60: {  	v15 =	vld [tilespmem:s18+$0xFFFFFFE0];
	(erf) = vrcp.f32 v19;
	v52 =	vpop (erf);
	v21 =	vadd.f32 $1.000000000e+00, v50  }
0x61: {  	v24 =	vimm.f32 $0.0e+00;
	v5 =	vld [tilespmem:s18+$0xFFFFFFF0];
	v25 =	vpop (erf)  }
0x62: {  	v11 =	vld [tilespmem:s21+$0xFFFFFFC0];
	(erf) = vrcp.f32 v21;
	v24 =	vadd.f32 v25, v24;
	v27 =	vpop (erf)  }
0x63: {  	v3 =	vld [tilespmem:s18+$0x0];
	v19 =	vadd.f32 $1.000000000e+00, v52;
	v53 =	vpop (erf)  }
0x64: {  	v1 =	vld [tilespmem:s19+$0x10];
	v24 =	vadd.f32 v53, v24  }
0x65: {  	v16 =	vld.idx.msk [tilespmem:v46+s3+$0x0], $0xffff;
	(erf) = vrcp.f32 v19;
	v27 =	vadd.f32 $1.000000000e+00, v27;
	v54 =	vpop (erf)  }
0x66: {  	v17 =	vld.idx.msk [tilespmem:v49+s3+$0x0], $0xffff;
	v24 =	vadd.f32 v54, v24  }
0x67: {  	v22 =	vld.idx.msk [tilespmem:v51+s12+$0x0], $0xffff;
	v11 =	vadd.f32 v11, v18;
	(erf) = vrcp.f32 v27;
	v55 =	vpop (erf)  }
0x68: {  	v15 =	vld.idx.msk [tilespmem:v15+s12+$0x0], $0xffff;
	v24 =	vadd.f32 v55, v24  }
0x69: {  	s20 =	simm.s32 $0x8C40;
	v11 =	vadd.f32 v11, v20;
	v28 =	vld.idx.msk [tilespmem:v5+s12+$0x0], $0xffff;
	v56 =	vpop (erf)  }
0x6a: {  	v8 =	vld.idx.msk [tilespmem:v8+s12+$0x0], $0xffff;
	v14 =	vadd.f32 v14, v16;
	[tilespmem:s20+$0xFFFFFFC0] =	vst v25;
	v5 =	vadd.f32 v56, v24  }
0x6b: {  	v9 =	vadd.f32 v9, v23;
	v3 =	vld.idx.msk [tilespmem:v3+s12+$0x0], $0xffff;
	v4 =	vadd.f32 v4, v17;
	[tilespmem:s20+$0xFFFFFFD0] =	vst v53;
	v58 =	vpop (erf)  }
0x6c: {  	v59 =	vld.idx.msk [tilespmem:v1+s3+$0x0], $0xffff;
	[tilespmem:s20+$0xFFFFFFE0] =	vst v54;
	v1 =	vadd.f32 v58, v5;
	v5 =	vmul.f32 $-2.000000000e+00, v11;
	v11 =	vadd.f32 v14, v22  }
0x6d: {  	v63 =	vadd.f32 v12, v57;
	v6 =	vld.idx.msk [tilespmem:v6+s3+$0x0], $0xffff;
	[tilespmem:s20+$0xFFFFFFF0] =	vst v55;
	v4 =	vadd.f32 v4, v15  }
0x6e: {  	v62 =	vadd.f32 v9, v28;
	v9 =	vld [tilespmem:s21+$0x30];
	[tilespmem:s20+$0x0] =	vst v56;
	v14 =	vpop (erf);
	v15 =	vmul.f32 $1.442695020e+00, v5;
	v60 =	vmul.f32 $-2.000000000e+00, v11  }
0x6f: {  	[tilespmem:s20+$0x10] =	vst v58;
	v1 =	vadd.f32 v14, v1;
	v5 =	vld.idx.msk [tilespmem:v7+s12+$0x0], $0xffff;
	v11 =	vmul.f32 $-2.000000000e+00, v4  }
0x70: {  	[tilespmem:s20+$0x20] =	vst v14;
	v61 =	vpop (erf);
	v7 =	vld.idx.msk [tilespmem:v13+s3+$0x0], $0xffff;
	v13 =	vadd.f32 v63, v3;
	v4 =	vmul.f32 $1.442695020e+00, v60;
	(erf) = vpow2.f32 v15  }
0x71: {  	s22 =	simm.s32 $0x7940;
	v10 =	vld.idx.msk [tilespmem:v10+s12+$0x0], $0xffff;
	s21 =	simm.s32 $0x80;
	v12 =	vmul.f32 $-2.000000000e+00, v62;
	v14 =	vadd.f32 v2, v59;
	[tilespmem:s20+$0x30] =	vst v61;
	v1 =	vadd.f32 v61, v1  }
.LBB2_2:
0x72: {  	v15 =	vld [tilespmem:s22+$0x20];
	v3 =	vmul.f32 $1.442695020e+00, v11;
	(erf) = vpow2.f32 v4  }
0x73: {  	v0 =	vadd.f32 v0, v6;
	v2 =	vld [tilespmem:s22+$0x10];
	v11 =	vmul.f32 $-2.000000000e+00, v13;
	v8 =	vadd.f32 v14, v8  }
0x74: {  	s18 =	sadd.s32 $0x80, s18;
	v12 =	vmul.f32 $1.442695020e+00, v12;
	v4 =	vld [tilespmem:s22+$0x0];
	(erf) = vpow2.f32 v3  }
0x75: {  	v13 =	vadd.f32 v0, v5;
	v3 =	vld [tilespmem:s18+$0x30];
	v8 =	vmul.f32 $-2.000000000e+00, v8;
	v7 =	vadd.f32 v9, v7  }
0x76: {  	v9 =	vmul.f32 $1.442695020e+00, v11;
	v6 =	vld [tilespmem:s22+$0xFFFFFFF0];
	(erf) = vpow2.f32 v12  }
0x77: {  	s19 =	sadd.s32 $0x80, s19;
	v11 =	vmul.f32 $-2.000000000e+00, v13;
	v5 =	vld [tilespmem:s18+$0x20];
	v10 =	vadd.f32 v7, v10;
	v0 =	vmov v15  }
0x78: {  	v8 =	vmul.f32 $1.442695020e+00, v8;
	v7 =	vld [tilespmem:s19+$0x30];
	(erf) = vpow2.f32 v9  }
0x79: {  	v11 =	vmul.f32 $1.442695020e+00, v11;
	v9 =	vld [tilespmem:s22+$0xFFFFFFE0];
	v15 =	vmul.f32 $-2.000000000e+00, v10;
	v12 =	vpop (erf)  }
0x7a: {  	v13 =	vld [tilespmem:s18+$0x10];
	v12 =	vadd.f32 $1.000000000e+00, v12;
	(erf) = vpow2.f32 v8  }
0x7b: {  	v14 =	vld [tilespmem:s19+$0x20];
	v8 =	vmul.f32 $1.442695020e+00, v15;
	v10 =	vpop (erf);
	(erf) = vpow2.f32 v11  }
0x7c: {  	v11 =	vld [tilespmem:s22+$0xFFFFFFD0];
	v10 =	vadd.f32 $1.000000000e+00, v10;
	(erf) = vrcp.f32 v12  }
0x7d: {  	v12 =	vld [tilespmem:s18+$0x0];
	v15 =	vpop (erf);
	(erf) = vpow2.f32 v8  }
0x7e: {  	v8 =	vld [tilespmem:s19+$0x10];
	v15 =	vadd.f32 $1.000000000e+00, v15;
	(erf) = vrcp.f32 v10  }
0x7f: {  	v10 =	vld [tilespmem:s22+$0xFFFFFFC0];
	v16 =	vpop (erf)  }
0x80: {  	v17 =	vld [tilespmem:s18+$0xFFFFFFF0];
	v16 =	vadd.f32 $1.000000000e+00, v16;
	(erf) = vrcp.f32 v15  }
0x81: {  	v15 =	vld [tilespmem:s18+$0xFFFFFFE0];
	v18 =	vpop (erf)  }
0x82: {  	s21 =	sadd.s32 $0x80, s21;
	v19 =	vld [tilespmem:s19+$0xFFFFFFC0];
	v22 =	vadd.f32 $1.000000000e+00, v18;
	(erf) = vrcp.f32 v16  }
0x83: {  	p1 =	slt.u32 s21, $0x1380;
	v16 =	vld [tilespmem:s19+$0xFFFFFFD0];
	v20 =	vpop (erf)  }
0x84: {  	v21 =	vld [tilespmem:s18+$0xFFFFFFC0];
	v26 =	vadd.f32 $1.000000000e+00, v20;
	(erf) = vrcp.f32 v22;
	v18 =	vpop (erf)  }
0x85: {  	s20 =	sadd.s32 $0x80, s20;
	v22 =	vld [tilespmem:s19+$0xFFFFFFE0];
	v23 =	vpop (erf)  }
0x86: {  	v27 =	vadd.f32 $1.000000000e+00, v18;
	v24 =	vld [tilespmem:s18+$0xFFFFFFD0];
	[tilespmem:s20+$0xFFFFFFC0] =	vst v23;
	v1 =	vadd.f32 v23, v1;
	(erf) = vrcp.f32 v26;
	v20 =	vpop (erf)  }
0x87: {  	v23 =	vld [tilespmem:s19+$0xFFFFFFF0];
	v25 =	vpop (erf)  }
0x88: {  	v20 =	vadd.f32 $1.000000000e+00, v20;
	v26 =	vld [tilespmem:s19+$0x0];
	[tilespmem:s20+$0xFFFFFFD0] =	vst v25;
	v1 =	vadd.f32 v25, v1;
	(erf) = vrcp.f32 v27  }
0x89: {  	v15 =	vld.idx.msk [tilespmem:v15+s12+$0x0], $0xffff;
	v18 =	vpop (erf)  }
0x8a: {  	v19 =	vld.idx.msk [tilespmem:v19+s3+$0x0], $0xffff;
	[tilespmem:s20+$0xFFFFFFE0] =	vst v18;
	v1 =	vadd.f32 v18, v1;
	(erf) = vrcp.f32 v20  }
0x8b: {  	v16 =	vld.idx.msk [tilespmem:v16+s3+$0x0], $0xffff;
	v18 =	vpop (erf)  }
0x8c: {  	v20 =	vld.idx.msk [tilespmem:v21+s12+$0x0], $0xffff;
	[tilespmem:s20+$0xFFFFFFF0] =	vst v18;
	v1 =	vadd.f32 v18, v1  }
0x8d: {  	v18 =	vld.idx.msk [tilespmem:v22+s3+$0x0], $0xffff;
	v21 =	vpop (erf)  }
0x8e: {  	v22 =	vld.idx.msk [tilespmem:v24+s12+$0x0], $0xffff;
	[tilespmem:s20+$0x0] =	vst v21;
	v1 =	vadd.f32 v21, v1  }
0x8f: {  	v21 =	vld.idx.msk [tilespmem:v23+s3+$0x0], $0xffff;
	v23 =	vpop (erf)  }
0x90: {  	v10 =	vadd.f32 v10, v19;
	v17 =	vld.idx.msk [tilespmem:v17+s12+$0x0], $0xffff;
	[tilespmem:s20+$0x10] =	vst v23;
	v1 =	vadd.f32 v23, v1  }
0x91: {  	v11 =	vadd.f32 v11, v16;
	v16 =	vld.idx.msk [tilespmem:v26+s3+$0x0], $0xffff;
	v19 =	vpop (erf)  }
0x92: {  	v10 =	vadd.f32 v10, v20;
	v20 =	vld.idx.msk [tilespmem:v12+s12+$0x0], $0xffff;
	[tilespmem:s20+$0x20] =	vst v19;
	v1 =	vadd.f32 v19, v1  }
0x93: {  	v9 =	vadd.f32 v9, v18;
	v18 =	vld.idx.msk [tilespmem:v8+s3+$0x0], $0xffff;
	v12 =	vpop (erf)  }
0x94: {  	v10 =	vmul.f32 $-2.000000000e+00, v10;
	v11 =	vadd.f32 v11, v22;
	v8 =	vld.idx.msk [tilespmem:v13+s12+$0x0], $0xffff;
	[tilespmem:s20+$0x30] =	vst v12;
	v1 =	vadd.f32 v12, v1  }
.Ltmp0:
0x95: {  	v9 =	vadd.f32 v9, v15;
	v12 =	vadd.f32 v6, v21;
	v6 =	vld.idx.msk [tilespmem:v14+s3+$0x0], $0xffff;
	(pc) =	sbr.rel @p1 .LBB2_2-.Ltmp0, $4  }
0x96: {  	v10 =	vmul.f32 $1.442695020e+00, v10;
	v13 =	vmul.f32 $-2.000000000e+00, v11;
	v5 =	vld.idx.msk [tilespmem:v5+s12+$0x0], $0xffff  }
0x97: {  	v11 =	vmul.f32 $-2.000000000e+00, v9;
	v12 =	vadd.f32 v12, v17;
	v14 =	vadd.f32 v4, v16;
	v7 =	vld.idx.msk [tilespmem:v7+s3+$0x0], $0xffff  }
0x98: {  	v4 =	vmul.f32 $1.442695020e+00, v13;
	v9 =	vld [tilespmem:s22+$0x30];
	(erf) = vpow2.f32 v10  }
0x99: {  	v12 =	vmul.f32 $-2.000000000e+00, v12;
	v13 =	vadd.f32 v14, v20;
	v14 =	vadd.f32 v2, v18;
	s22 =	sadd.s32 $0x80, s22;
	v10 =	vld.idx.msk [tilespmem:v3+s12+$0x0], $0xffff  }
0x9a: {  	v2 =	vmul.f32 $1.442695020e+00, v11;
	(erf) = vpow2.f32 v4  }
0x9b: {  	v0 =	vadd.f32 v0, v6;
	v3 =	vmul.f32 $-2.000000000e+00, v13;
	v39 =	vadd.f32 v14, v8  }
0x9c: {  	v40 =	vmul.f32 $1.442695020e+00, v12;
	(erf) = vpow2.f32 v2  }
0x9d: {  	v0 =	vadd.f32 v0, v5;
	v41 =	vmul.f32 $-2.000000000e+00, v39;
	v42 =	vadd.f32 v9, v7  }
0x9e: {  	v3 =	vmul.f32 $1.442695020e+00, v3;
	(erf) = vpow2.f32 v40  }
0x9f: {  	v0 =	vmul.f32 $-2.000000000e+00, v0;
	v4 =	vadd.f32 v42, v10  }
0xa0: {  	v2 =	vmul.f32 $1.442695020e+00, v41;
	(erf) = vpow2.f32 v3  }
0xa1: {  	v0 =	vmul.f32 $1.442695020e+00, v0;
	v43 =	vmul.f32 $-2.000000000e+00, v4;
	v44 =	vpop (erf)  }
0xa2: {  	(erf) = vpow2.f32 v2;
	v4 =	vadd.f32 $1.000000000e+00, v44  }
0xa3: {  	v45 =	vmul.f32 $1.442695020e+00, v43;
	v46 =	vpop (erf);
	(erf) = vpow2.f32 v0  }
0xa4: {  	v47 =	vadd.f32 $1.000000000e+00, v46;
	(erf) = vrcp.f32 v4  }
0xa5: {  	v48 =	vpop (erf);
	(erf) = vpow2.f32 v45  }
0xa6: {  	v49 =	vadd.f32 $1.000000000e+00, v48;
	(erf) = vrcp.f32 v47  }
0xa7: {  	v50 =	vpop (erf)  }
0xa8: {  	v0 =	vadd.f32 $1.000000000e+00, v50;
	(erf) = vrcp.f32 v49  }
0xa9: {  	v51 =	vpop (erf)  }
0xaa: {  	v2 =	vadd.f32 $1.000000000e+00, v51;
	(erf) = vrcp.f32 v0  }
0xab: {  	v52 =	vpop (erf)  }
0xac: {  	v0 =	vadd.f32 $1.000000000e+00, v52;
	(erf) = vrcp.f32 v2;
	v53 =	vpop (erf)  }
0xad: {  	v54 =	vpop (erf)  }
0xae: {  	v2 =	vadd.f32 $1.000000000e+00, v53;
	(erf) = vrcp.f32 v0;
	v1 =	vadd.f32 v54, v1;
	v55 =	vpop (erf)  }
0xaf: {  	v56 =	vpop (erf)  }
0xb0: {  	v0 =	vadd.f32 $1.000000000e+00, v55;
	(erf) = vrcp.f32 v2;
	v1 =	vadd.f32 v56, v1  }
0xb1: {  	v57 =	vpop (erf)  }
0xb2: {  	(erf) = vrcp.f32 v0;
	v1 =	vadd.f32 v57, v1  }
0xb3: {  	v58 =	vpop (erf)  }
0xb4: {  	v1 =	vadd.f32 v58, v1  }
0xb5: {  	s18 =	sadd.s32 $0x80, s20;
	v59 =	vpop (erf)  }
0xb6: {  	[tilespmem:s18+$0xFFFFFFC0] =	vst v54;
	v1 =	vadd.f32 v59, v1  }
0xb7: {  	[tilespmem:s18+$0xFFFFFFD0] =	vst v56;
	v60 =	vpop (erf)  }
0xb8: {  	[tilespmem:s18+$0xFFFFFFE0] =	vst v57;
	v1 =	vadd.f32 v60, v1  }
0xb9: {  	[tilespmem:s18+$0xFFFFFFF0] =	vst v58;
	v61 =	vpop (erf)  }
0xba: {  	[tilespmem:s18+$0x0] =	vst v59;
	v1 =	vadd.f32 v61, v1  }
0xbb: {  	[tilespmem:s18+$0x10] =	vst v60;
	v62 =	vpop (erf)  }
0xbc: {  	[tilespmem:s18+$0x20] =	vst v61;
	v63 =	vadd.f32 v62, v1  }
0xbd: {  	[tilespmem:s18+$0x30] =	vst v62  }
0xbe: {  	s19 =	simm.s32 @p0 $0x8C00;
	s18 =	simm.s32 @p0 $0x0;
	[tilespmem:$0xA000] =	vst v63  }
0xbf: {  	[hbm4b:s8+s18] =	stream.linear.scatter @p0 [tilespmem:s19], [sflag:$0x1], $0x500, $0x38;
	[tilespmem:$0xA080] =	vst v63  }
0xc0: {  	s18 =	simm.s32 @p0 $0x1  }
0xc1: {  	_ =	swait.ge @p0 [sflag:s18], $0x500  }
0xc2: {  	[sflag:s18] =	ssyncset.done @p0 $0x0  }
0xc3: {  	s19 =	simm.s32 @!p0 $0x8C00;
	[sflag:s18] =	ssyncadd.s32 @p0 $0xFFFFFB00;
	s18 =	simm.s32 @!p0 $0x0  }
0xc4: {  	[hbm4b:s8+s18] =	stream.linear.scatter @!p0 [tilespmem:s19], [sflag:$0x1], $0x1400, $0x38;
	[tilespmem:$0xA080] =	vst v63  }
0xc5: {  	s18 =	simm.s32 @!p0 $0x1  }
0xc6: {  	s17 =	sadd.s32 $0x1, s17;
	_ =	swait.ge @!p0 [sflag:s18], $0x1400  }
0xc7: {  	p1 =	sne.s32 s17, s10;
	[sflag:s18] =	ssyncset.done @!p0 $0x0  }
.Ltmp1:
0xc8: {  	[sflag:s18] =	ssyncadd.s32 @!p0 $0xFFFFEC00;
	(pc) =	sbr.rel @p1 .LBB2_1-.Ltmp1, $4  }
0xc9: {  	[hbm4b:s9+s3] =	stream.linear.scatter [tilespmem:s16], [sflag:$0x1], $0x80, $0x38;
	[tilespmem:$0xA080] =	vst v63  }
0xca: {  	_ =	swait.ge [sflag:s11], $0x80  }
0xcb: {  	[sflag:s11] =	ssyncset.done $0x0  }
0xcc: {  	[sflag:s11] =	ssyncadd.s32 $0xFFFFFF80  }
0xcd: {  	_ =	sfence.sel $0x180000  }
0xce: {  	[bflag:$0x0] =	sbarrier.arrive $0xFFFF  }
0xcf: {  	p0 =	sne.s32 s1, $0x0;
	_ =	strace $0x90000047  }
0xd0: {  	s0 =	sadd.s32 @!p0 $0x100000, s0;
	[bflag:$0x2] =	sbarrier.arrive $0xFFFF  }
0xd1: {  	[sflag:s0] =	ssyncadd.tile.s32 @!p0 $0x1;
	_ =	shalt  }
.Lfunc_end2:
_tile_overlayer_lowered:
.L_overlay_start_2:
0xd2: {  	(tag) =	ssettag $0x2  }
0xd3: {  	s0 =	rddreg [dreg:$0x0];
	s2 =	stileid.u32  }
0xd4: {  	s1 =	rddreg [dreg:$0x1];
	p0 =	sne.s32 s2, $0x0  }
0xd5: {  	s3 =	rddreg [dreg:$0x2];
	[bflag:$0x3] =	sbarrier.arrive $0xFFFF;
	s2 =	simm.s32 @!p0 $0x1C01  }
0xd6: {  	[timem:s3], [sflag:s2] =	dma.local @!p0 [hbm:s0], s1  }
0xd7: {  	s0 =	simm.s32 @!p0 $0x1  }
0xd8: {  	_ =	swait.ge @!p0 [sflag:s0], s1  }
0xd9: {  	s1 =	ssub.s32 @!p0 $0x0, s1;
	[sflag:s0] =	ssyncset.done @!p0 $0x0  }
0xda: {  	[sflag:s0] =	ssyncadd.s32 @!p0 s1  }
0xdb: {  	[bflag:$0x3] =	sbarrier.arrive $0xFFFF  }
0xdc: {  	_ =	shalt  }

</sc_bundles>
